<compile_context>
chip_gen: v7x
topology: tpu7x:2x2x1
jax: 0.10.2.dev20260603
libtpu: 0.0.44.dev20260713+nightly
codegen_flags: <defaults>
</compile_context>

<pallas_src>
import jax
import jax.numpy as jnp
from jax.experimental import pallas as pl
from jax.experimental.pallas import tpu as pltpu

_CLS_THRESH = 0.3
_NMS_THRESH = 0.25
_T = 1024


def _pair_sup(x_c, y_c, dx_c, dy_c, x_r, y_r, dx_r, dy_r):
    x1_c = x_c - dx_c / 2.0
    x2_c = x_c + dx_c / 2.0
    y1_c = y_c - dy_c / 2.0
    y2_c = y_c + dy_c / 2.0
    ar_c = dx_c * dy_c
    x1_r = x_r - dx_r / 2.0
    x2_r = x_r + dx_r / 2.0
    y1_r = y_r - dy_r / 2.0
    y2_r = y_r + dy_r / 2.0
    ar_r = dx_r * dy_r
    ix = jnp.clip(jnp.minimum(x2_c, x2_r) - jnp.maximum(x1_c, x1_r), 0.0)
    iy = jnp.clip(jnp.minimum(y2_c, y2_r) - jnp.maximum(y1_c, y1_r), 0.0)
    inter = ix * iy
    union = ar_c + ar_r - inter
    iou = inter / jnp.clip(union, 1e-6)
    return jnp.where(iou > _NMS_THRESH, 1.0, 0.0)


def _nms_body(rows_ref, out_ref, keep_ref, cols_ref):
    np_ = rows_ref.shape[2]
    t = _T
    num_tiles = np_ // t

    keep_ref[...] = jnp.zeros((1, np_), jnp.float32)
    cols_ref[...] = jnp.transpose(rows_ref[0, :, :], (1, 0))

    tri = jnp.where(
        jax.lax.broadcasted_iota(jnp.int32, (t, t), 0)
        < jax.lax.broadcasted_iota(jnp.int32, (t, t), 1),
        1.0,
        0.0,
    )

    def tile_step(k, _):
        i0 = k * t
        x_i = rows_ref[0, 0:1, pl.ds(i0, t)]
        y_i = rows_ref[0, 1:2, pl.ds(i0, t)]
        dx_i = rows_ref[0, 2:3, pl.ds(i0, t)]
        dy_i = rows_ref[0, 3:4, pl.ds(i0, t)]
        s_i = rows_ref[0, 4:5, pl.ds(i0, t)]

        def chunk_step(c, acc):
            j0 = c * t
            xj = cols_ref[pl.ds(j0, t), 0:1]
            yj = cols_ref[pl.ds(j0, t), 1:2]
            dxj = cols_ref[pl.ds(j0, t), 2:3]
            dyj = cols_ref[pl.ds(j0, t), 3:4]
            sup_c = _pair_sup(xj, yj, dxj, dyj, x_i, y_i, dx_i, dy_i)
            kslice = keep_ref[0:1, pl.ds(j0, t)]
            return acc + jnp.dot(
                kslice.astype(jnp.bfloat16),
                sup_c.astype(jnp.bfloat16),
                preferred_element_type=jnp.float32,
            )

        s_prev = jax.lax.fori_loop(
            0, k, chunk_step, jnp.zeros((1, t), jnp.float32)
        )
        alive0 = jnp.where((s_i >= _CLS_THRESH) & (s_prev == 0.0), 1.0, 0.0)

        xt_c = cols_ref[pl.ds(i0, t), 0:1]
        yt_c = cols_ref[pl.ds(i0, t), 1:2]
        dxt_c = cols_ref[pl.ds(i0, t), 2:3]
        dyt_c = cols_ref[pl.ds(i0, t), 3:4]
        e_mat = (
            tri * _pair_sup(xt_c, yt_c, dxt_c, dyt_c, x_i, y_i, dx_i, dy_i)
        ).astype(jnp.bfloat16)

        def w_cond(c):
            return c[1]

        def w_body(c):
            kl, _ = c
            s_in = jnp.dot(
                kl.astype(jnp.bfloat16), e_mat,
                preferred_element_type=jnp.float32,
            )
            kl2 = alive0 * jnp.where(s_in == 0.0, 1.0, 0.0)
            return kl2, jnp.any(kl2 != kl)

        kl, _ = jax.lax.while_loop(w_cond, w_body, (alive0, jnp.array(True)))
        keep_ref[0, pl.ds(i0, t)] = kl[0]
        return 0

    jax.lax.fori_loop(0, num_tiles, tile_step, 0)
    out_ref[...] = (rows_ref[0, 4:5, :] * keep_ref[...])[None]


def kernel(pred_boxes, pred_cls, base_xyz):
    del base_xyz
    b, n, _ = pred_boxes.shape
    np_ = ((n + _T - 1) // _T) * _T

    scores = jax.nn.sigmoid(pred_cls[..., 0])
    order = jnp.argsort(-scores, axis=1)
    sb = jnp.take_along_axis(pred_boxes, order[..., None], axis=1)
    ss = jnp.take_along_axis(scores, order, axis=1)
    fields = jnp.stack(
        [sb[..., 0], sb[..., 1], sb[..., 3], sb[..., 4], ss], axis=1
    )
    rows = jnp.pad(fields, ((0, 0), (0, 3), (0, np_ - n)))

    out = pl.pallas_call(
        _nms_body,
        grid=(b,),
        in_specs=[
            pl.BlockSpec((1, 8, np_), lambda i: (i, 0, 0)),
        ],
        out_specs=pl.BlockSpec((1, 1, np_), lambda i: (i, 0, 0)),
        out_shape=jax.ShapeDtypeStruct((b, 1, np_), jnp.float32),
        scratch_shapes=[
            pltpu.VMEM((1, np_), jnp.float32),
            pltpu.VMEM((np_, 8), jnp.float32),
        ],
    )(rows)

    masked_sorted = out[:, 0, :n]
    _, res = jax.lax.sort((order, masked_sorted), dimension=1, num_keys=1)
    return res

# --- scband reference (transcript-rebuilt; emitter-appended) ---
"""Pipeline reference for scband-single-stage-detector-81037442941225 (READ-ONLY COPY).

The authoritative reference and input builder live on the scoring server;
editing this copy changes nothing except your own understanding.
"""

import jax, jax.numpy as jnp
import numpy as np

CLS_THRESH = 0.3
NMS_THRESH = 0.25


def setup_inputs(seed: int = 0) -> dict:
    key = jax.random.key(seed)
    k1, k2, k3, k4, k5 = jax.random.split(key, 5)
    B, N = 2, 5000
    # realistic 3D detection boxes: (x, y, z, dx, dy, dz, heading)
    xy = jax.random.uniform(k1, (B, N, 2)) * jnp.array([70.0, 80.0]) + jnp.array([0.0, -40.0])
    z = jax.random.uniform(k2, (B, N, 1)) * 3.0 - 2.0
    dims = jax.random.uniform(k3, (B, N, 3)) * 4.0 + 0.5
    heading = jax.random.uniform(k4, (B, N, 1)) * 2.0 * jnp.pi - jnp.pi
    pred_boxes = jnp.concatenate([xy, z, dims, heading], axis=-1).astype(jnp.float32)
    pred_cls = jax.random.normal(k5, (B, N, 1), dtype=jnp.float32)
    base_xyz = pred_boxes[..., :3]
    return {"pred_boxes": pred_boxes, "pred_cls": pred_cls, "base_xyz": base_xyz}


def _bev_iou(boxes):
    # axis-aligned BEV IoU (nms_normal_gpu semantics: rotation ignored)
    x1 = boxes[:, 0] - boxes[:, 3] / 2.0
    x2 = boxes[:, 0] + boxes[:, 3] / 2.0
    y1 = boxes[:, 1] - boxes[:, 4] / 2.0
    y2 = boxes[:, 1] + boxes[:, 4] / 2.0
    ix = jnp.clip(jnp.minimum(x2[:, None], x2[None, :]) - jnp.maximum(x1[:, None], x1[None, :]), 0.0)
    iy = jnp.clip(jnp.minimum(y2[:, None], y2[None, :]) - jnp.maximum(y1[:, None], y1[None, :]), 0.0)
    inter = ix * iy
    area = boxes[:, 3] * boxes[:, 4]
    union = area[:, None] + area[None, :] - inter
    return inter / jnp.clip(union, 1e-6)


def _nms_mask(boxes, scores):
    # score threshold (CLS_THRESH) + greedy NMS (NMS_THRESH), fixed-shape keep mask
    N = scores.shape[0]
    valid = scores >= CLS_THRESH
    order = jnp.argsort(-scores)
    b = boxes[order]
    v = valid[order]
    iou = _bev_iou(b)
    idx = jnp.arange(N)
    def body(i, keep):
        suppress = (iou[i] > NMS_THRESH) & (idx > i) & keep[i]
        return keep & (~suppress)
    keep = jax.lax.fori_loop(0, N, body, v)
    mask = jnp.zeros((N,), dtype=bool).at[order].set(keep)
    return mask


def reference(pred_boxes, pred_cls, base_xyz):
    # single-class branch of SingleStageDetector.post_processing:
    # sigmoid scores -> CLS_THRESH filter -> normal (axis-aligned) NMS -> kept scores
    scores = jax.nn.sigmoid(pred_cls[..., 0])
    masks = jax.vmap(_nms_mask)(pred_boxes, scores)
    return scores * masks.astype(scores.dtype)

if __name__ == "__main__":
    import jax
    _d = setup_inputs()
    print(jax.jit(kernel)(*tuple(_d.values())))

</pallas_src>

<mosaic_0001>
module attributes {stable_mosaic.version = 14 : i64} {
  func.func @_nms_body(%arg0: i32, %arg1: memref<1x8x5120xf32, #tpu.memory_space<vmem>>, %arg2: memref<1x1x5120xf32, #tpu.memory_space<vmem>>, %arg3: memref<1x5120xf32, #tpu.memory_space<vmem>>, %arg4: memref<5120x8xf32, #tpu.memory_space<vmem>>) attributes {dimension_semantics = [#tpu.dimension_semantics<arbitrary>], iteration_bounds = array<i64: 2>, scalar_prefetch = 0 : i64, scratch_operands = 2 : i64, tpu.core_type = #tpu.core_type<tc>, window_params = [{transform_indices = @transform_0, window_bounds = array<i64: 1, 8, 5120>}, {transform_indices = @transform_1, window_bounds = array<i64: 1, 1, 5120>}]} {
    %broadcast_in_dim3A = arith.constant 0.000000e+00 : f32
    %broadcast_in_dim3A_0 = vector.broadcast %broadcast_in_dim3A : f32 to vector<1x5120xf32>
    %swap3A = arith.constant 0 : index
    %swap3A_1 = arith.constant 0 : index
    %swap3A_2 = vector.load %arg3[%swap3A, %swap3A_1] : memref<1x5120xf32, #tpu.memory_space<vmem>>, vector<1x5120xf32>
    tpu.vector_store %arg3[%swap3A, %swap3A_1], %broadcast_in_dim3A_0 {strides = array<i32>} : memref<1x5120xf32, #tpu.memory_space<vmem>>, vector<1x5120xf32>,
    %get3A = arith.constant 0 : index
    %get3A_3 = arith.constant 0 : index
    %get3A_4 = arith.constant 0 : index
    %get3A_5 = vector.load %arg1[%get3A, %get3A_3, %get3A_4] : memref<1x8x5120xf32, #tpu.memory_space<vmem>>, vector<1x8x5120xf32>
    %get3A_6 = vector.shape_cast %get3A_5 : vector<1x8x5120xf32> to vector<8x5120xf32>
    %transpose3A = tpu.transpose %get3A_6, [1, 0] : vector<8x5120xf32> -> vector<5120x8xf32>
    %swap3A_7 = arith.constant 0 : index
    %swap3A_8 = arith.constant 0 : index
    %swap3A_9 = vector.load %arg4[%swap3A_7, %swap3A_8] : memref<5120x8xf32, #tpu.memory_space<vmem>>, vector<5120x8xf32>
    tpu.vector_store %arg4[%swap3A_7, %swap3A_8], %transpose3A {strides = array<i32>} : memref<5120x8xf32, #tpu.memory_space<vmem>>, vector<5120x8xf32>,
    %iota3A = tpu.iota {dimensions = array<i32: 0>} : vector<1024x1024xi32>
    %iota3A_10 = tpu.iota {dimensions = array<i32: 1>} : vector<1024x1024xi32>
    %lt3A = arith.cmpi slt, %iota3A, %iota3A_10 : vector<1024x1024xi32>
    %jit3A = arith.constant 1.000000e+00 : f32
    %jit3A_11 = arith.constant 0.000000e+00 : f32
    %broadcast_in_dim3A_12 = vector.broadcast %jit3A : f32 to vector<1024x1024xf32>
    %broadcast_in_dim3A_13 = vector.broadcast %jit3A_11 : f32 to vector<1024x1024xf32>
    %select_n3A = arith.select %lt3A, %broadcast_in_dim3A_12, %broadcast_in_dim3A_13 : vector<1024x1024xi1>, vector<1024x1024xf32>
    %scan3A = arith.constant 0 : i32
    %scan3A_14 = arith.constant 5 : i32
    %scan3A_15 = arith.addi %scan3A, %scan3A_14 : i32
    %scan3A_16 = arith.constant 1 : i32
    scf.for %scan3A_31 = %scan3A to %scan3A_15 step %scan3A_16  : i32 {
      %mul3A_32 = arith.constant 1024 : i32
      %mul3A_33 = arith.muli %scan3A_31, %mul3A_32 : i32
      %get3A_34 = arith.constant 0 : index
      %get3A_35 = arith.constant 0 : index
      %get3A_36 = arith.index_cast %mul3A_33 : i32 to index
      %get3A_37 = vector.load %arg1[%get3A_34, %get3A_35, %get3A_36] : memref<1x8x5120xf32, #tpu.memory_space<vmem>>, vector<1x1x1024xf32>
      %get3A_38 = vector.shape_cast %get3A_37 : vector<1x1x1024xf32> to vector<1x1024xf32>
      %get3A_39 = arith.constant 0 : index
      %get3A_40 = arith.constant 1 : index
      %get3A_41 = arith.index_cast %mul3A_33 : i32 to index
      %get3A_42 = vector.load %arg1[%get3A_39, %get3A_40, %get3A_41] : memref<1x8x5120xf32, #tpu.memory_space<vmem>>, vector<1x1x1024xf32>
      %get3A_43 = vector.shape_cast %get3A_42 : vector<1x1x1024xf32> to vector<1x1024xf32>
      %get3A_44 = arith.constant 0 : index
      %get3A_45 = arith.constant 2 : index
      %get3A_46 = arith.index_cast %mul3A_33 : i32 to index
      %get3A_47 = vector.load %arg1[%get3A_44, %get3A_45, %get3A_46] : memref<1x8x5120xf32, #tpu.memory_space<vmem>>, vector<1x1x1024xf32>
      %get3A_48 = vector.shape_cast %get3A_47 : vector<1x1x1024xf32> to vector<1x1024xf32>
      %get3A_49 = arith.constant 0 : index
      %get3A_50 = arith.constant 3 : index
      %get3A_51 = arith.index_cast %mul3A_33 : i32 to index
      %get3A_52 = vector.load %arg1[%get3A_49, %get3A_50, %get3A_51] : memref<1x8x5120xf32, #tpu.memory_space<vmem>>, vector<1x1x1024xf32>
      %get3A_53 = vector.shape_cast %get3A_52 : vector<1x1x1024xf32> to vector<1x1024xf32>
      %get3A_54 = arith.constant 0 : index
      %get3A_55 = arith.constant 4 : index
      %get3A_56 = arith.index_cast %mul3A_33 : i32 to index
      %get3A_57 = vector.load %arg1[%get3A_54, %get3A_55, %get3A_56] : memref<1x8x5120xf32, #tpu.memory_space<vmem>>, vector<1x1x1024xf32>
      %get3A_58 = vector.shape_cast %get3A_57 : vector<1x1x1024xf32> to vector<1x1024xf32>
      %broadcast_in_dim3A_59 = arith.constant 0.000000e+00 : f32
      %broadcast_in_dim3A_60 = vector.broadcast %broadcast_in_dim3A_59 : f32 to vector<1x1024xf32>
      %while3A = arith.constant 0 : i32
      %while3A_61 = arith.subi %scan3A_31, %while3A : i32
      %while3A_62 = arith.addi %while3A, %while3A_61 : i32
      %while3A_63 = arith.constant 1 : i32
      %while3A_64 = arith.divsi %while3A_61, %while3A_63 : i32
      %while3A_65 = arith.muli %while3A_64, %while3A_63 : i32
      %while3A_66 = arith.addi %while3A, %while3A_65 : i32
      %while3A_67 = arith.constant 1 : i32
      %while3A_68 = scf.for %while3A_165 = %while3A to %while3A_66 step %while3A_67 iter_args(%while3A_166 = %broadcast_in_dim3A_60) -> (vector<1x1024xf32>)  : i32 {
        %mul3A_167 = arith.constant 1024 : i32
        %mul3A_168 = arith.muli %while3A_165, %mul3A_167 : i32
        %get3A_169 = arith.index_cast %mul3A_168 : i32 to index
        %get3A_170 = arith.constant 0 : index
        %get3A_171 = vector.load %arg4[%get3A_169, %get3A_170] : memref<5120x8xf32, #tpu.memory_space<vmem>>, vector<1024x1xf32>
        %get3A_172 = arith.index_cast %mul3A_168 : i32 to index
        %get3A_173 = arith.constant 1 : index
        %get3A_174 = vector.load %arg4[%get3A_172, %get3A_173] : memref<5120x8xf32, #tpu.memory_space<vmem>>, vector<1024x1xf32>
        %get3A_175 = arith.index_cast %mul3A_168 : i32 to index
        %get3A_176 = arith.constant 2 : index
        %get3A_177 = vector.load %arg4[%get3A_175, %get3A_176] : memref<5120x8xf32, #tpu.memory_space<vmem>>, vector<1024x1xf32>
        %get3A_178 = arith.index_cast %mul3A_168 : i32 to index
        %get3A_179 = arith.constant 3 : index
        %get3A_180 = vector.load %arg4[%get3A_178, %get3A_179] : memref<5120x8xf32, #tpu.memory_space<vmem>>, vector<1024x1xf32>
        %div3A_181 = arith.constant 2.000000e+00 : f32
        %div3A_182 = vector.broadcast %div3A_181 : f32 to vector<1024x1xf32>
        %div3A_183 = arith.divf %get3A_177, %div3A_182 : vector<1024x1xf32>
        %sub3A_184 = arith.subf %get3A_171, %div3A_183 : vector<1024x1xf32>
        %div3A_185 = arith.constant 2.000000e+00 : f32
        %div3A_186 = vector.broadcast %div3A_185 : f32 to vector<1024x1xf32>
        %div3A_187 = arith.divf %get3A_177, %div3A_186 : vector<1024x1xf32>
        %add3A_188 = arith.addf %get3A_171, %div3A_187 : vector<1024x1xf32>
        %div3A_189 = arith.constant 2.000000e+00 : f32
        %div3A_190 = vector.broadcast %div3A_189 : f32 to vector<1024x1xf32>
        %div3A_191 = arith.divf %get3A_180, %div3A_190 : vector<1024x1xf32>
        %sub3A_192 = arith.subf %get3A_174, %div3A_191 : vector<1024x1xf32>
        %div3A_193 = arith.constant 2.000000e+00 : f32
        %div3A_194 = vector.broadcast %div3A_193 : f32 to vector<1024x1xf32>
        %div3A_195 = arith.divf %get3A_180, %div3A_194 : vector<1024x1xf32>
        %add3A_196 = arith.addf %get3A_174, %div3A_195 : vector<1024x1xf32>
        %mul3A_197 = arith.mulf %get3A_177, %get3A_180 : vector<1024x1xf32>
        %div3A_198 = arith.constant 2.000000e+00 : f32
        %div3A_199 = vector.broadcast %div3A_198 : f32 to vector<1x1024xf32>
        %div3A_200 = arith.divf %get3A_48, %div3A_199 : vector<1x1024xf32>
        %sub3A_201 = arith.subf %get3A_38, %div3A_200 : vector<1x1024xf32>
        %div3A_202 = arith.constant 2.000000e+00 : f32
        %div3A_203 = vector.broadcast %div3A_202 : f32 to vector<1x1024xf32>
        %div3A_204 = arith.divf %get3A_48, %div3A_203 : vector<1x1024xf32>
        %add3A_205 = arith.addf %get3A_38, %div3A_204 : vector<1x1024xf32>
        %div3A_206 = arith.constant 2.000000e+00 : f32
        %div3A_207 = vector.broadcast %div3A_206 : f32 to vector<1x1024xf32>
        %div3A_208 = arith.divf %get3A_53, %div3A_207 : vector<1x1024xf32>
        %sub3A_209 = arith.subf %get3A_43, %div3A_208 : vector<1x1024xf32>
        %div3A_210 = arith.constant 2.000000e+00 : f32
        %div3A_211 = vector.broadcast %div3A_210 : f32 to vector<1x1024xf32>
        %div3A_212 = arith.divf %get3A_53, %div3A_211 : vector<1x1024xf32>
        %add3A_213 = arith.addf %get3A_43, %div3A_212 : vector<1x1024xf32>
        %mul3A_214 = arith.mulf %get3A_48, %get3A_53 : vector<1x1024xf32>
        %min3A_215 = vector.broadcast %add3A_188 : vector<1024x1xf32> to vector<1024x1024xf32>
        %min3A_216 = vector.broadcast %add3A_205 : vector<1x1024xf32> to vector<1024x1024xf32>
        %min3A_217 = arith.minimumf %min3A_215, %min3A_216 : vector<1024x1024xf32>
        %max3A_218 = vector.broadcast %sub3A_184 : vector<1024x1xf32> to vector<1024x1024xf32>
        %max3A_219 = vector.broadcast %sub3A_201 : vector<1x1024xf32> to vector<1024x1024xf32>
        %max3A_220 = arith.maximumf %max3A_218, %max3A_219 : vector<1024x1024xf32>
        %sub3A_221 = arith.subf %min3A_217, %max3A_220 : vector<1024x1024xf32>
        %jit3A_222 = arith.constant 0.000000e+00 : f32
        %max3A_223 = vector.broadcast %jit3A_222 : f32 to vector<1024x1024xf32>
        %max3A_224 = arith.maximumf %max3A_223, %sub3A_221 : vector<1024x1024xf32>
        %min3A_225 = vector.broadcast %add3A_196 : vector<1024x1xf32> to vector<1024x1024xf32>
        %min3A_226 = vector.broadcast %add3A_213 : vector<1x1024xf32> to vector<1024x1024xf32>
        %min3A_227 = arith.minimumf %min3A_225, %min3A_226 : vector<1024x1024xf32>
        %max3A_228 = vector.broadcast %sub3A_192 : vector<1024x1xf32> to vector<1024x1024xf32>
        %max3A_229 = vector.broadcast %sub3A_209 : vector<1x1024xf32> to vector<1024x1024xf32>
        %max3A_230 = arith.maximumf %max3A_228, %max3A_229 : vector<1024x1024xf32>
        %sub3A_231 = arith.subf %min3A_227, %max3A_230 : vector<1024x1024xf32>
        %jit3A_232 = arith.constant 0.000000e+00 : f32
        %max3A_233 = vector.broadcast %jit3A_232 : f32 to vector<1024x1024xf32>
        %max3A_234 = arith.maximumf %max3A_233, %sub3A_231 : vector<1024x1024xf32>
        %mul3A_235 = arith.mulf %max3A_224, %max3A_234 : vector<1024x1024xf32>
        %add3A_236 = vector.broadcast %mul3A_197 : vector<1024x1xf32> to vector<1024x1024xf32>
        %add3A_237 = vector.broadcast %mul3A_214 : vector<1x1024xf32> to vector<1024x1024xf32>
        %add3A_238 = arith.addf %add3A_236, %add3A_237 : vector<1024x1024xf32>
        %sub3A_239 = arith.subf %add3A_238, %mul3A_235 : vector<1024x1024xf32>
        %jit3A_240 = arith.constant 9.99999997E-7 : f32
        %max3A_241 = vector.broadcast %jit3A_240 : f32 to vector<1024x1024xf32>
        %max3A_242 = arith.maximumf %max3A_241, %sub3A_239 : vector<1024x1024xf32>
        %div3A_243 = arith.divf %mul3A_235, %max3A_242 : vector<1024x1024xf32>
        %gt3A_244 = arith.constant 2.500000e-01 : f32
        %gt3A_245 = vector.broadcast %gt3A_244 : f32 to vector<1024x1024xf32>
        %gt3A_246 = arith.cmpf ogt, %div3A_243, %gt3A_245 : vector<1024x1024xf32>
        %jit3A_247 = arith.constant 1.000000e+00 : f32
        %jit3A_248 = arith.constant 0.000000e+00 : f32
        %broadcast_in_dim3A_249 = vector.broadcast %jit3A_247 : f32 to vector<1024x1024xf32>
        %broadcast_in_dim3A_250 = vector.broadcast %jit3A_248 : f32 to vector<1024x1024xf32>
        %select_n3A_251 = arith.select %gt3A_246, %broadcast_in_dim3A_249, %broadcast_in_dim3A_250 : vector<1024x1024xi1>, vector<1024x1024xf32>
        %get3A_252 = arith.constant 0 : index
        %get3A_253 = arith.index_cast %mul3A_168 : i32 to index
        %get3A_254 = vector.load %arg3[%get3A_252, %get3A_253] : memref<1x5120xf32, #tpu.memory_space<vmem>>, vector<1x1024xf32>
        %convert_element_type3A_255 = arith.truncf %get3A_254 : vector<1x1024xf32> to vector<1x1024xbf16>
        %convert_element_type3A_256 = arith.truncf %select_n3A_251 : vector<1024x1024xf32> to vector<1024x1024xbf16>
        %dot_general3A = arith.constant dense<0.000000e+00> : vector<1x1024xf32>
        %dot_general3A_257 = tpu.matmul %convert_element_type3A_255, %convert_element_type3A_256, %dot_general3A {dimension_numbers = #tpu.dot_dimension_numbers<[1], [0], [0], [1], [0, 0, 1, 1], [], []>, transpose_lhs_hint = false} : vector<1x1024xbf16>, vector<1024x1024xbf16>, vector<1x1024xf32> -> vector<1x1024xf32>
        %add3A_258 = arith.addf %while3A_166, %dot_general3A_257 : vector<1x1024xf32>
        scf.yield %add3A_258 : vector<1x1024xf32>
      }
      %while3A_69 = arith.constant 1 : i32
      %while3A_70 = scf.for %while3A_165 = %while3A_66 to %while3A_62 step %while3A_69 iter_args(%while3A_166 = %while3A_68) -> (vector<1x1024xf32>)  : i32 {
        %mul3A_167 = arith.constant 1024 : i32
        %mul3A_168 = arith.muli %while3A_165, %mul3A_167 : i32
        %get3A_169 = arith.index_cast %mul3A_168 : i32 to index
        %get3A_170 = arith.constant 0 : index
        %get3A_171 = vector.load %arg4[%get3A_169, %get3A_170] : memref<5120x8xf32, #tpu.memory_space<vmem>>, vector<1024x1xf32>
        %get3A_172 = arith.index_cast %mul3A_168 : i32 to index
        %get3A_173 = arith.constant 1 : index
        %get3A_174 = vector.load %arg4[%get3A_172, %get3A_173] : memref<5120x8xf32, #tpu.memory_space<vmem>>, vector<1024x1xf32>
        %get3A_175 = arith.index_cast %mul3A_168 : i32 to index
        %get3A_176 = arith.constant 2 : index
        %get3A_177 = vector.load %arg4[%get3A_175, %get3A_176] : memref<5120x8xf32, #tpu.memory_space<vmem>>, vector<1024x1xf32>
        %get3A_178 = arith.index_cast %mul3A_168 : i32 to index
        %get3A_179 = arith.constant 3 : index
        %get3A_180 = vector.load %arg4[%get3A_178, %get3A_179] : memref<5120x8xf32, #tpu.memory_space<vmem>>, vector<1024x1xf32>
        %div3A_181 = arith.constant 2.000000e+00 : f32
        %div3A_182 = vector.broadcast %div3A_181 : f32 to vector<1024x1xf32>
        %div3A_183 = arith.divf %get3A_177, %div3A_182 : vector<1024x1xf32>
        %sub3A_184 = arith.subf %get3A_171, %div3A_183 : vector<1024x1xf32>
        %div3A_185 = arith.constant 2.000000e+00 : f32
        %div3A_186 = vector.broadcast %div3A_185 : f32 to vector<1024x1xf32>
        %div3A_187 = arith.divf %get3A_177, %div3A_186 : vector<1024x1xf32>
        %add3A_188 = arith.addf %get3A_171, %div3A_187 : vector<1024x1xf32>
        %div3A_189 = arith.constant 2.000000e+00 : f32
        %div3A_190 = vector.broadcast %div3A_189 : f32 to vector<1024x1xf32>
        %div3A_191 = arith.divf %get3A_180, %div3A_190 : vector<1024x1xf32>
        %sub3A_192 = arith.subf %get3A_174, %div3A_191 : vector<1024x1xf32>
        %div3A_193 = arith.constant 2.000000e+00 : f32
        %div3A_194 = vector.broadcast %div3A_193 : f32 to vector<1024x1xf32>
        %div3A_195 = arith.divf %get3A_180, %div3A_194 : vector<1024x1xf32>
        %add3A_196 = arith.addf %get3A_174, %div3A_195 : vector<1024x1xf32>
        %mul3A_197 = arith.mulf %get3A_177, %get3A_180 : vector<1024x1xf32>
        %div3A_198 = arith.constant 2.000000e+00 : f32
        %div3A_199 = vector.broadcast %div3A_198 : f32 to vector<1x1024xf32>
        %div3A_200 = arith.divf %get3A_48, %div3A_199 : vector<1x1024xf32>
        %sub3A_201 = arith.subf %get3A_38, %div3A_200 : vector<1x1024xf32>
        %div3A_202 = arith.constant 2.000000e+00 : f32
        %div3A_203 = vector.broadcast %div3A_202 : f32 to vector<1x1024xf32>
        %div3A_204 = arith.divf %get3A_48, %div3A_203 : vector<1x1024xf32>
        %add3A_205 = arith.addf %get3A_38, %div3A_204 : vector<1x1024xf32>
        %div3A_206 = arith.constant 2.000000e+00 : f32
        %div3A_207 = vector.broadcast %div3A_206 : f32 to vector<1x1024xf32>
        %div3A_208 = arith.divf %get3A_53, %div3A_207 : vector<1x1024xf32>
        %sub3A_209 = arith.subf %get3A_43, %div3A_208 : vector<1x1024xf32>
        %div3A_210 = arith.constant 2.000000e+00 : f32
        %div3A_211 = vector.broadcast %div3A_210 : f32 to vector<1x1024xf32>
        %div3A_212 = arith.divf %get3A_53, %div3A_211 : vector<1x1024xf32>
        %add3A_213 = arith.addf %get3A_43, %div3A_212 : vector<1x1024xf32>
        %mul3A_214 = arith.mulf %get3A_48, %get3A_53 : vector<1x1024xf32>
        %min3A_215 = vector.broadcast %add3A_188 : vector<1024x1xf32> to vector<1024x1024xf32>
        %min3A_216 = vector.broadcast %add3A_205 : vector<1x1024xf32> to vector<1024x1024xf32>
        %min3A_217 = arith.minimumf %min3A_215, %min3A_216 : vector<1024x1024xf32>
        %max3A_218 = vector.broadcast %sub3A_184 : vector<1024x1xf32> to vector<1024x1024xf32>
        %max3A_219 = vector.broadcast %sub3A_201 : vector<1x1024xf32> to vector<1024x1024xf32>
        %max3A_220 = arith.maximumf %max3A_218, %max3A_219 : vector<1024x1024xf32>
        %sub3A_221 = arith.subf %min3A_217, %max3A_220 : vector<1024x1024xf32>
        %jit3A_222 = arith.constant 0.000000e+00 : f32
        %max3A_223 = vector.broadcast %jit3A_222 : f32 to vector<1024x1024xf32>
        %max3A_224 = arith.maximumf %max3A_223, %sub3A_221 : vector<1024x1024xf32>
        %min3A_225 = vector.broadcast %add3A_196 : vector<1024x1xf32> to vector<1024x1024xf32>
        %min3A_226 = vector.broadcast %add3A_213 : vector<1x1024xf32> to vector<1024x1024xf32>
        %min3A_227 = arith.minimumf %min3A_225, %min3A_226 : vector<1024x1024xf32>
        %max3A_228 = vector.broadcast %sub3A_192 : vector<1024x1xf32> to vector<1024x1024xf32>
        %max3A_229 = vector.broadcast %sub3A_209 : vector<1x1024xf32> to vector<1024x1024xf32>
        %max3A_230 = arith.maximumf %max3A_228, %max3A_229 : vector<1024x1024xf32>
        %sub3A_231 = arith.subf %min3A_227, %max3A_230 : vector<1024x1024xf32>
        %jit3A_232 = arith.constant 0.000000e+00 : f32
        %max3A_233 = vector.broadcast %jit3A_232 : f32 to vector<1024x1024xf32>
        %max3A_234 = arith.maximumf %max3A_233, %sub3A_231 : vector<1024x1024xf32>
        %mul3A_235 = arith.mulf %max3A_224, %max3A_234 : vector<1024x1024xf32>
        %add3A_236 = vector.broadcast %mul3A_197 : vector<1024x1xf32> to vector<1024x1024xf32>
        %add3A_237 = vector.broadcast %mul3A_214 : vector<1x1024xf32> to vector<1024x1024xf32>
        %add3A_238 = arith.addf %add3A_236, %add3A_237 : vector<1024x1024xf32>
        %sub3A_239 = arith.subf %add3A_238, %mul3A_235 : vector<1024x1024xf32>
        %jit3A_240 = arith.constant 9.99999997E-7 : f32
        %max3A_241 = vector.broadcast %jit3A_240 : f32 to vector<1024x1024xf32>
        %max3A_242 = arith.maximumf %max3A_241, %sub3A_239 : vector<1024x1024xf32>
        %div3A_243 = arith.divf %mul3A_235, %max3A_242 : vector<1024x1024xf32>
        %gt3A_244 = arith.constant 2.500000e-01 : f32
        %gt3A_245 = vector.broadcast %gt3A_244 : f32 to vector<1024x1024xf32>
        %gt3A_246 = arith.cmpf ogt, %div3A_243, %gt3A_245 : vector<1024x1024xf32>
        %jit3A_247 = arith.constant 1.000000e+00 : f32
        %jit3A_248 = arith.constant 0.000000e+00 : f32
        %broadcast_in_dim3A_249 = vector.broadcast %jit3A_247 : f32 to vector<1024x1024xf32>
        %broadcast_in_dim3A_250 = vector.broadcast %jit3A_248 : f32 to vector<1024x1024xf32>
        %select_n3A_251 = arith.select %gt3A_246, %broadcast_in_dim3A_249, %broadcast_in_dim3A_250 : vector<1024x1024xi1>, vector<1024x1024xf32>
        %get3A_252 = arith.constant 0 : index
        %get3A_253 = arith.index_cast %mul3A_168 : i32 to index
        %get3A_254 = vector.load %arg3[%get3A_252, %get3A_253] : memref<1x5120xf32, #tpu.memory_space<vmem>>, vector<1x1024xf32>
        %convert_element_type3A_255 = arith.truncf %get3A_254 : vector<1x1024xf32> to vector<1x1024xbf16>
        %convert_element_type3A_256 = arith.truncf %select_n3A_251 : vector<1024x1024xf32> to vector<1024x1024xbf16>
        %dot_general3A = arith.constant dense<0.000000e+00> : vector<1x1024xf32>
        %dot_general3A_257 = tpu.matmul %convert_element_type3A_255, %convert_element_type3A_256, %dot_general3A {dimension_numbers = #tpu.dot_dimension_numbers<[1], [0], [0], [1], [0, 0, 1, 1], [], []>, transpose_lhs_hint = false} : vector<1x1024xbf16>, vector<1024x1024xbf16>, vector<1x1024xf32> -> vector<1x1024xf32>
        %add3A_258 = arith.addf %while3A_166, %dot_general3A_257 : vector<1x1024xf32>
        scf.yield %add3A_258 : vector<1x1024xf32>
      }
      %ge3A = arith.constant 3.000000e-01 : f32
      %ge3A_71 = vector.broadcast %ge3A : f32 to vector<1x1024xf32>
      %ge3A_72 = arith.cmpf oge, %get3A_58, %ge3A_71 : vector<1x1024xf32>
      %eq3A = arith.constant 0.000000e+00 : f32
      %eq3A_73 = vector.broadcast %eq3A : f32 to vector<1x1024xf32>
      %eq3A_74 = arith.cmpf oeq, %while3A_70, %eq3A_73 : vector<1x1024xf32>
      %and3A = arith.andi %ge3A_72, %eq3A_74 : vector<1x1024xi1>
      %jit3A_75 = arith.constant 1.000000e+00 : f32
      %jit3A_76 = arith.constant 0.000000e+00 : f32
      %broadcast_in_dim3A_77 = vector.broadcast %jit3A_75 : f32 to vector<1x1024xf32>
      %broadcast_in_dim3A_78 = vector.broadcast %jit3A_76 : f32 to vector<1x1024xf32>
      %select_n3A_79 = arith.select %and3A, %broadcast_in_dim3A_77, %broadcast_in_dim3A_78 : vector<1x1024xi1>, vector<1x1024xf32>
      %get3A_80 = arith.index_cast %mul3A_33 : i32 to index
      %get3A_81 = arith.constant 0 : index
      %get3A_82 = vector.load %arg4[%get3A_80, %get3A_81] : memref<5120x8xf32, #tpu.memory_space<vmem>>, vector<1024x1xf32>
      %get3A_83 = arith.index_cast %mul3A_33 : i32 to index
      %get3A_84 = arith.constant 1 : index
      %get3A_85 = vector.load %arg4[%get3A_83, %get3A_84] : memref<5120x8xf32, #tpu.memory_space<vmem>>, vector<1024x1xf32>
      %get3A_86 = arith.index_cast %mul3A_33 : i32 to index
      %get3A_87 = arith.constant 2 : index
      %get3A_88 = vector.load %arg4[%get3A_86, %get3A_87] : memref<5120x8xf32, #tpu.memory_space<vmem>>, vector<1024x1xf32>
      %get3A_89 = arith.index_cast %mul3A_33 : i32 to index
      %get3A_90 = arith.constant 3 : index
      %get3A_91 = vector.load %arg4[%get3A_89, %get3A_90] : memref<5120x8xf32, #tpu.memory_space<vmem>>, vector<1024x1xf32>
      %div3A = arith.constant 2.000000e+00 : f32
      %div3A_92 = vector.broadcast %div3A : f32 to vector<1024x1xf32>
      %div3A_93 = arith.divf %get3A_88, %div3A_92 : vector<1024x1xf32>
      %sub3A = arith.subf %get3A_82, %div3A_93 : vector<1024x1xf32>
      %div3A_94 = arith.constant 2.000000e+00 : f32
      %div3A_95 = vector.broadcast %div3A_94 : f32 to vector<1024x1xf32>
      %div3A_96 = arith.divf %get3A_88, %div3A_95 : vector<1024x1xf32>
      %add3A = arith.addf %get3A_82, %div3A_96 : vector<1024x1xf32>
      %div3A_97 = arith.constant 2.000000e+00 : f32
      %div3A_98 = vector.broadcast %div3A_97 : f32 to vector<1024x1xf32>
      %div3A_99 = arith.divf %get3A_91, %div3A_98 : vector<1024x1xf32>
      %sub3A_100 = arith.subf %get3A_85, %div3A_99 : vector<1024x1xf32>
      %div3A_101 = arith.constant 2.000000e+00 : f32
      %div3A_102 = vector.broadcast %div3A_101 : f32 to vector<1024x1xf32>
      %div3A_103 = arith.divf %get3A_91, %div3A_102 : vector<1024x1xf32>
      %add3A_104 = arith.addf %get3A_85, %div3A_103 : vector<1024x1xf32>
      %mul3A_105 = arith.mulf %get3A_88, %get3A_91 : vector<1024x1xf32>
      %div3A_106 = arith.constant 2.000000e+00 : f32
      %div3A_107 = vector.broadcast %div3A_106 : f32 to vector<1x1024xf32>
      %div3A_108 = arith.divf %get3A_48, %div3A_107 : vector<1x1024xf32>
      %sub3A_109 = arith.subf %get3A_38, %div3A_108 : vector<1x1024xf32>
      %div3A_110 = arith.constant 2.000000e+00 : f32
      %div3A_111 = vector.broadcast %div3A_110 : f32 to vector<1x1024xf32>
      %div3A_112 = arith.divf %get3A_48, %div3A_111 : vector<1x1024xf32>
      %add3A_113 = arith.addf %get3A_38, %div3A_112 : vector<1x1024xf32>
      %div3A_114 = arith.constant 2.000000e+00 : f32
      %div3A_115 = vector.broadcast %div3A_114 : f32 to vector<1x1024xf32>
      %div3A_116 = arith.divf %get3A_53, %div3A_115 : vector<1x1024xf32>
      %sub3A_117 = arith.subf %get3A_43, %div3A_116 : vector<1x1024xf32>
      %div3A_118 = arith.constant 2.000000e+00 : f32
      %div3A_119 = vector.broadcast %div3A_118 : f32 to vector<1x1024xf32>
      %div3A_120 = arith.divf %get3A_53, %div3A_119 : vector<1x1024xf32>
      %add3A_121 = arith.addf %get3A_43, %div3A_120 : vector<1x1024xf32>
      %mul3A_122 = arith.mulf %get3A_48, %get3A_53 : vector<1x1024xf32>
      %min3A = vector.broadcast %add3A : vector<1024x1xf32> to vector<1024x1024xf32>
      %min3A_123 = vector.broadcast %add3A_113 : vector<1x1024xf32> to vector<1024x1024xf32>
      %min3A_124 = arith.minimumf %min3A, %min3A_123 : vector<1024x1024xf32>
      %max3A = vector.broadcast %sub3A : vector<1024x1xf32> to vector<1024x1024xf32>
      %max3A_125 = vector.broadcast %sub3A_109 : vector<1x1024xf32> to vector<1024x1024xf32>
      %max3A_126 = arith.maximumf %max3A, %max3A_125 : vector<1024x1024xf32>
      %sub3A_127 = arith.subf %min3A_124, %max3A_126 : vector<1024x1024xf32>
      %jit3A_128 = arith.constant 0.000000e+00 : f32
      %max3A_129 = vector.broadcast %jit3A_128 : f32 to vector<1024x1024xf32>
      %max3A_130 = arith.maximumf %max3A_129, %sub3A_127 : vector<1024x1024xf32>
      %min3A_131 = vector.broadcast %add3A_104 : vector<1024x1xf32> to vector<1024x1024xf32>
      %min3A_132 = vector.broadcast %add3A_121 : vector<1x1024xf32> to vector<1024x1024xf32>
      %min3A_133 = arith.minimumf %min3A_131, %min3A_132 : vector<1024x1024xf32>
      %max3A_134 = vector.broadcast %sub3A_100 : vector<1024x1xf32> to vector<1024x1024xf32>
      %max3A_135 = vector.broadcast %sub3A_117 : vector<1x1024xf32> to vector<1024x1024xf32>
      %max3A_136 = arith.maximumf %max3A_134, %max3A_135 : vector<1024x1024xf32>
      %sub3A_137 = arith.subf %min3A_133, %max3A_136 : vector<1024x1024xf32>
      %jit3A_138 = arith.constant 0.000000e+00 : f32
      %max3A_139 = vector.broadcast %jit3A_138 : f32 to vector<1024x1024xf32>
      %max3A_140 = arith.maximumf %max3A_139, %sub3A_137 : vector<1024x1024xf32>
      %mul3A_141 = arith.mulf %max3A_130, %max3A_140 : vector<1024x1024xf32>
      %add3A_142 = vector.broadcast %mul3A_105 : vector<1024x1xf32> to vector<1024x1024xf32>
      %add3A_143 = vector.broadcast %mul3A_122 : vector<1x1024xf32> to vector<1024x1024xf32>
      %add3A_144 = arith.addf %add3A_142, %add3A_143 : vector<1024x1024xf32>
      %sub3A_145 = arith.subf %add3A_144, %mul3A_141 : vector<1024x1024xf32>
      %jit3A_146 = arith.constant 9.99999997E-7 : f32
      %max3A_147 = vector.broadcast %jit3A_146 : f32 to vector<1024x1024xf32>
      %max3A_148 = arith.maximumf %max3A_147, %sub3A_145 : vector<1024x1024xf32>
      %div3A_149 = arith.divf %mul3A_141, %max3A_148 : vector<1024x1024xf32>
      %gt3A = arith.constant 2.500000e-01 : f32
      %gt3A_150 = vector.broadcast %gt3A : f32 to vector<1024x1024xf32>
      %gt3A_151 = arith.cmpf ogt, %div3A_149, %gt3A_150 : vector<1024x1024xf32>
      %jit3A_152 = arith.constant 1.000000e+00 : f32
      %jit3A_153 = arith.constant 0.000000e+00 : f32
      %broadcast_in_dim3A_154 = vector.broadcast %jit3A_152 : f32 to vector<1024x1024xf32>
      %broadcast_in_dim3A_155 = vector.broadcast %jit3A_153 : f32 to vector<1024x1024xf32>
      %select_n3A_156 = arith.select %gt3A_151, %broadcast_in_dim3A_154, %broadcast_in_dim3A_155 : vector<1024x1024xi1>, vector<1024x1024xf32>
      %mul3A_157 = arith.mulf %select_n3A, %select_n3A_156 : vector<1024x1024xf32>
      %convert_element_type3A = arith.truncf %mul3A_157 : vector<1024x1024xf32> to vector<1024x1024xbf16>
      %while3A_158 = arith.constant true
      %while3A_159:2 = scf.while (%while3A_165 = %select_n3A_79, %while3A_166 = %while3A_158) : (vector<1x1024xf32>, i1) -> (vector<1x1024xf32>, i1) {
        scf.condition(%while3A_166) %while3A_165, %while3A_166 : vector<1x1024xf32>, i1
      } do {
      ^bb0(%while3A_165: vector<1x1024xf32>, %while3A_166: i1):
        %convert_element_type3A_167 = arith.truncf %while3A_165 : vector<1x1024xf32> to vector<1x1024xbf16>
        %dot_general3A = arith.constant dense<0.000000e+00> : vector<1x1024xf32>
        %dot_general3A_168 = tpu.matmul %convert_element_type3A_167, %convert_element_type3A, %dot_general3A {dimension_numbers = #tpu.dot_dimension_numbers<[1], [0], [0], [1], [0, 0, 1, 1], [], []>, transpose_lhs_hint = false} : vector<1x1024xbf16>, vector<1024x1024xbf16>, vector<1x1024xf32> -> vector<1x1024xf32>
        %eq3A_169 = arith.constant 0.000000e+00 : f32
        %eq3A_170 = vector.broadcast %eq3A_169 : f32 to vector<1x1024xf32>
        %eq3A_171 = arith.cmpf oeq, %dot_general3A_168, %eq3A_170 : vector<1x1024xf32>
        %jit3A_172 = arith.constant 1.000000e+00 : f32
        %jit3A_173 = arith.constant 0.000000e+00 : f32
        %broadcast_in_dim3A_174 = vector.broadcast %jit3A_172 : f32 to vector<1x1024xf32>
        %broadcast_in_dim3A_175 = vector.broadcast %jit3A_173 : f32 to vector<1x1024xf32>
        %select_n3A_176 = arith.select %eq3A_171, %broadcast_in_dim3A_174, %broadcast_in_dim3A_175 : vector<1x1024xi1>, vector<1x1024xf32>
        %mul3A_177 = arith.mulf %select_n3A_79, %select_n3A_176 : vector<1x1024xf32>
        %ne3A = arith.cmpf one, %mul3A_177, %while3A_165 : vector<1x1024xf32>
        %reduce_or3A = arith.constant 1.000000e+00 : f32
        %reduce_or3A_178 = arith.constant 0.000000e+00 : f32
        %reduce_or3A_179 = vector.broadcast %reduce_or3A : f32 to vector<1x1024xf32>
        %reduce_or3A_180 = vector.broadcast %reduce_or3A_178 : f32 to vector<1x1024xf32>
        %reduce_or3A_181 = arith.select %ne3A, %reduce_or3A_179, %reduce_or3A_180 : vector<1x1024xi1>, vector<1x1024xf32>
        %reduce_or3A_182 = vector.shape_cast %reduce_or3A_181 : vector<1x1024xf32> to vector<1x1x1024xf32>
        %reduce_or3A_183 = arith.constant dense<0xFF800000> : vector<1xf32>
        %reduce_or3A_184 = vector.multi_reduction <maximumf>, %reduce_or3A_182, %reduce_or3A_183 [1, 2] : vector<1x1x1024xf32> to vector<1xf32>
        %reduce_or3A_185 = vector.shape_cast %reduce_or3A_184 : vector<1xf32> to vector<1x1x1xf32>
        %reduce_or3A_186 = vector.extract %reduce_or3A_185[0, 0, 0] : f32 from vector<1x1x1xf32>
        %reduce_or3A_187 = arith.constant 0.000000e+00 : f32
        %reduce_or3A_188 = arith.cmpf ogt, %reduce_or3A_186, %reduce_or3A_187 : f32
        scf.yield %mul3A_177, %reduce_or3A_188 : vector<1x1024xf32>, i1
      }
      %squeeze3A = vector.shape_cast %while3A_159#0 : vector<1x1024xf32> to vector<1024xf32>
      %swap3A_160 = arith.constant 0 : index
      %swap3A_161 = arith.index_cast %mul3A_33 : i32 to index
      %swap3A_162 = vector.load %arg3[%swap3A_160, %swap3A_161] : memref<1x5120xf32, #tpu.memory_space<vmem>>, vector<1x1024xf32>
      %swap3A_163 = vector.shape_cast %swap3A_162 : vector<1x1024xf32> to vector<1024xf32>
      %swap3A_164 = vector.shape_cast %squeeze3A : vector<1024xf32> to vector<1x1024xf32>
      tpu.vector_store %arg3[%swap3A_160, %swap3A_161], %swap3A_164 {strides = array<i32>} : memref<1x5120xf32, #tpu.memory_space<vmem>>, vector<1x1024xf32>,
    }
    %scan3A_17 = arith.constant 5 : i32
    %get3A_18 = arith.constant 0 : index
    %get3A_19 = arith.constant 4 : index
    %get3A_20 = arith.constant 0 : index
    %get3A_21 = vector.load %arg1[%get3A_18, %get3A_19, %get3A_20] : memref<1x8x5120xf32, #tpu.memory_space<vmem>>, vector<1x1x5120xf32>
    %get3A_22 = vector.shape_cast %get3A_21 : vector<1x1x5120xf32> to vector<1x5120xf32>
    %get3A_23 = arith.constant 0 : index
    %get3A_24 = arith.constant 0 : index
    %get3A_25 = vector.load %arg3[%get3A_23, %get3A_24] : memref<1x5120xf32, #tpu.memory_space<vmem>>, vector<1x5120xf32>
    %mul3A = arith.mulf %get3A_22, %get3A_25 : vector<1x5120xf32>
    %broadcast_in_dim3A_26 = vector.shape_cast %mul3A : vector<1x5120xf32> to vector<1x1x5120xf32>
    %swap3A_27 = arith.constant 0 : index
    %swap3A_28 = arith.constant 0 : index
    %swap3A_29 = arith.constant 0 : index
    %swap3A_30 = vector.load %arg2[%swap3A_27, %swap3A_28, %swap3A_29] : memref<1x1x5120xf32, #tpu.memory_space<vmem>>, vector<1x1x5120xf32>
    tpu.vector_store %arg2[%swap3A_27, %swap3A_28, %swap3A_29], %broadcast_in_dim3A_26 {strides = array<i32>} : memref<1x1x5120xf32, #tpu.memory_space<vmem>>, vector<1x1x5120xf32>,
    return
  }
  func.func @transform_0(%arg0: i32) -> (i32, i32, i32) {
    %c0_i32 = arith.constant 0 : i32
    %c0_i32_0 = arith.constant 0 : i32
    %c0_i32_1 = arith.constant 0 : i32
    return %arg0, %c0_i32, %c0_i32_0 : i32, i32, i32
  }
  func.func @transform_1(%arg0: i32) -> (i32, i32, i32) {
    %c0_i32 = arith.constant 0 : i32
    %c0_i32_0 = arith.constant 0 : i32
    %c0_i32_1 = arith.constant 0 : i32
    return %arg0, %c0_i32, %c0_i32_0 : i32, i32, i32
  }
}

</mosaic_0001>

<sc_bundles>
// kernel: gather_offload_async_start.1
scs
__scs_entry_jumppad:
0x0: {  	(pc) =	sbr.rel $0x88, $3  }
0x1: {  	(tag) =	ssettag $0x0;
	lr =	simm.s32 $0x1  }
0x2: {  	[smem:$0x3F9F] =	sst lr;
	_ =	strace $0xD0000000  }
0x3: {  	_ = 	snop  }
0x4: {  	_ = 	snop  }
0x5: {  	_ = 	snop  }
0x6: {  	_ = 	snop  }
0x7: {  	_ = 	snop  }
__scs_overlays_trampoline_lowered:
0x8: {  	[smem:$0x3FAE] =	sst s0  }
0x9: {  	[smem:$0x3FAF] =	sst s1  }
0xa: {  	[smem:$0x3FB0] =	sst s2  }
0xb: {  	[smem:$0x3FB1] =	sst s3  }
0xc: {  	[smem:$0x3FB2] =	sst s4  }
0xd: {  	[smem:$0x3FB3] =	sst s5  }
0xe: {  	[smem:$0x3FB4] =	sst s6  }
0xf: {  	[smem:$0x3FB5] =	sst s7  }
0x10: {  	[smem:$0x3FB6] =	sst s8  }
0x11: {  	[smem:$0x3FB7] =	sst s9;
	s0 =	simm.s32 @!p0 $0x0  }
0x12: {  	s1 =	sld [smem:$0x3F9D];
	s0 =	simm.s32 @p0 $0x1  }
0x13: {  	[smem:$0x3FB8] =	sst s0;
	s0 =	simm.s32 @!p1 $0x0  }
0x14: {  	s2 =	sld [smem:$0x3F9C];
	s0 =	simm.s32 @p1 $0x1  }
0x15: {  	[smem:$0x3FB9] =	sst s0;
	s0 =	simm.s32 @!p2 $0x0  }
0x16: {  	s3 =	sld [smem:$0x3FDB];
	s0 =	simm.s32 @p2 $0x1  }
0x17: {  	s4 =	simm.s32 $0x1BF5;
	[smem:$0x3FBB] =	sst s0  }
0x18: {  	s0 =	sld [smem:$0x3F9E];
	_ =	swait.ge [sflag:s4], $0x0  }
0x19: {  	s7 =	sld [smem:$0x3F9F]  }
0x1a: {  	s8 =	sadd.s32 $0xFFFFE003, lr  }
0x1b: {  	s9 =	sadd.s32 $0xFFFFFEF7, lr;
	s5 =	simm.s32 $0xFFFFFFFF;
	p2 =	slt.u32 s8, $0xFFFFF086  }
0x1c: {  	p1 =	slt.u32 s9, $0xF7A;
	s5 =	simm.s32 @!p2 $0x0  }
0x1d: {  	s5 =	simm.s32 @p1 $0x1;
	p0 =	seq.s32 s7, s2  }
0x1e: {  	s7 =	smul.u32 @!p0 $0xF7A, s2;
	p2 =	seq.s32 @!p0 s5, $0x0  }
0x1f: {  	s9 =	smul.u32 $0xF7A, s1;
	s8 =	simm.s32 @!p0 $0x1BF5;
	p2 =	por !p2, p0  }
0x20: {  	[sflag:s8] =	ssyncset.s32 @!p0 $0xFFFFF086;
	s6 =	sadd.s32 @!p0 s3, s7;
	s7 =	simm.s32 @!p0 $0x108  }
0x21: {  	s3 =	sadd.s32 s3, s9;
	s6 =	sadd.s32 @!p0 $0x88, s6;
	s7 =	simm.s32 @p2 $0x1082  }
0x22: {  	[simem:s7], [sflag:s8] =	dma.local @!p0 [hbm:s6], $0xF7A  }
0x23: {  	s9 =	sor.u32 $0xD0000000, s2;
	s6 =	simm.s32 $0x108;
	_ =	swait.ge @!p0 [sflag:s8], $0x0  }
0x24: {  	s3 =	sadd.s32 $0x88, s3;
	s6 =	simm.s32 @!p1 $0x1082;
	[sflag:s4] =	ssyncset.s32 $0xFFFFF086  }
0x25: {  	[simem:s6], [sflag:s4] =	dma.local [hbm:s3], $0xF7A  }
0x26: {  	[smem:$0x3F9F] =	sst s1;
	(tag) =	ssettag s2;
	_ =	strace s9  }
0x27: {  	s1 =	sld [smem:$0x3FAF]  }
0x28: {  	s2 =	sld [smem:$0x3FB0]  }
0x29: {  	s4 =	sld [smem:$0x3FB2]  }
0x2a: {  	p0 =	seq.s32 s5, $0x0;
	s5 =	sld [smem:$0x3FB3]  }
0x2b: {  	s6 =	sld [smem:$0x3FB4]  }
0x2c: {  	s7 =	sld [smem:$0x3FB5]  }
0x2d: {  	s3 =	simm.s32 $0x108;
	s8 =	sld [smem:$0x3FB6]  }
0x2e: {  	s3 =	simm.s32 @!p0 $0x1082;
	s9 =	sld [smem:$0x3FB7]  }
0x2f: {  	lr =	sadd.s32 s0, s3;
	s0 =	sld [smem:$0x3FAE]  }
0x30: {  	s3 =	sld [smem:$0x3FB1]  }
0x31: {  	[smem:$0x3FBA] =	sst s10  }
0x32: {  	s10 =	sld [smem:$0x3FB8];
	_ =	sdelay $0x3  }
0x33: {  	p0 =	seq.s32 s10, $0x1;
	s10 =	sld [smem:$0x3FBA];
	_ =	sdelay $0x3  }
0x34: {  	[smem:$0x3FBA] =	sst s10  }
0x35: {  	s10 =	sld [smem:$0x3FB9];
	_ =	sdelay $0x3  }
0x36: {  	p1 =	seq.s32 s10, $0x1;
	s10 =	sld [smem:$0x3FBA];
	_ =	sdelay $0x3  }
0x37: {  	[smem:$0x3FBA] =	sst s10  }
0x38: {  	s10 =	sld [smem:$0x3FBB]  }
0x39: {  	_ = 	snop;
	(pc) =	sbr.ind lr, $3  }
0x3a: {  	_ = 	snop  }
0x3b: {  	_ = 	snop  }
0x3c: {  	p2 =	seq.s32 s10, $0x1;
	s10 =	sld [smem:$0x3FBA]  }
0x3d: {  	_ =	shalt  }
0x3e: {  	_ =	shalt  }
0x3f: {  	_ =	shalt  }
0x40: {  	_ =	shalt  }
0x41: {  	_ =	shalt  }
0x42: {  	_ =	shalt  }
0x43: {  	_ =	shalt  }
0x44: {  	_ =	shalt  }
0x45: {  	_ =	shalt  }
0x46: {  	_ =	shalt  }
0x47: {  	_ =	shalt  }
0x48: {  	_ =	shalt  }
0x49: {  	_ =	shalt  }
0x4a: {  	_ =	shalt  }
0x4b: {  	_ =	shalt  }
0x4c: {  	_ =	shalt  }
0x4d: {  	_ =	shalt  }
0x4e: {  	_ =	shalt  }
0x4f: {  	_ =	shalt  }
0x50: {  	_ =	shalt  }
0x51: {  	_ =	shalt  }
0x52: {  	_ =	shalt  }
0x53: {  	_ =	shalt  }
0x54: {  	_ =	shalt  }
0x55: {  	_ =	shalt  }
0x56: {  	_ =	shalt  }
0x57: {  	_ =	shalt  }
0x58: {  	_ =	shalt  }
0x59: {  	_ =	shalt  }
0x5a: {  	_ =	shalt  }
0x5b: {  	_ =	shalt  }
0x5c: {  	_ =	shalt  }
0x5d: {  	_ =	shalt  }
0x5e: {  	_ =	shalt  }
0x5f: {  	_ =	shalt  }
0x60: {  	_ =	shalt  }
0x61: {  	_ =	shalt  }
0x62: {  	_ =	shalt  }
0x63: {  	_ =	shalt  }
0x64: {  	_ =	shalt  }
0x65: {  	_ =	shalt  }
0x66: {  	_ =	shalt  }
0x67: {  	_ =	shalt  }
0x68: {  	_ =	shalt  }
0x69: {  	_ =	shalt  }
0x6a: {  	_ =	shalt  }
0x6b: {  	_ =	shalt  }
0x6c: {  	_ =	shalt  }
0x6d: {  	_ =	shalt  }
0x6e: {  	_ =	shalt  }
0x6f: {  	_ =	shalt  }
0x70: {  	_ =	shalt  }
0x71: {  	_ =	shalt  }
0x72: {  	_ =	shalt  }
0x73: {  	_ =	shalt  }
0x74: {  	_ =	shalt  }
0x75: {  	_ =	shalt  }
0x76: {  	_ =	shalt  }
0x77: {  	_ =	shalt  }
0x78: {  	_ =	shalt  }
0x79: {  	_ =	shalt  }
0x7a: {  	_ =	shalt  }
0x7b: {  	_ =	shalt  }
0x7c: {  	_ =	shalt  }
0x7d: {  	_ =	shalt  }
0x7e: {  	_ =	shalt  }
0x7f: {  	_ =	shalt  }
0x80: {  	_ =	shalt  }
0x81: {  	_ =	shalt  }
0x82: {  	_ =	shalt  }
0x83: {  	_ =	shalt  }
0x84: {  	_ =	shalt  }
0x85: {  	_ =	shalt  }
0x86: {  	_ =	shalt  }
0x87: {  	_ =	shalt  }
.Lfunc_end0:
.L_simem_size_0:
called_computation.1_lowered:
.L_overlay_start_0:
0x88: {  	s0 =	sld [smem:$0x3FD9]  }
0x89: {  	s1 =	sld [smem:$0x3FFE];
	_ =	sdelay $0x3  }
0x8a: {  	s0 =	sadd.s32 s1, s0  }
0x8b: {  	[smem:$0x3FC6] =	sst s0  }
0x8c: {  	_ = 	snop  }
0x8d: {  	s0 =	sld [smem:$0x3FD0];
	(tm) =	ssettm $0x1  }
0x8e: {  	s16 =	sld [smem:$0x3FFB];
	_ =	sdelay $0x3  }
0x8f: {  	_ =	strace s16  }
0x90: {  	s1 =	sld [smem:$0x3FFC];
	_ =	sdelay $0x3  }
0x91: {  	_ =	strace s1  }
0x92: {  	s1 =	sld [smem:$0x3FFD];
	_ =	sdelay $0x3  }
0x93: {  	_ =	strace s1  }
0x94: {  	_ =	strace $0x8FFFFFFF  }
0x95: {  	s17 =	sld [smem:$0x3FDB];
	_ =	sdelay $0x1  }
0x96: {  	s2 =	simm.s32 $_scs_section_size  }
0x97: {  	s3 =	simm.s32 $_size__tile_overlayer_lowered;
	s4 =	simm.s32 $_tile_overlayer_lowered  }
0x98: {  	s20 =	simm.s32 $0x1BFF;
	s19 =	sshll.u32 s4, $0x1;
	s1 =	sadd.s32 s2, s17  }
0x99: {  	s5 =	simm.s32 $0x0;
	s18 =	sshll.u32 s3, $0x1;
	s3 =	sadd.s32 s19, s1  }
0x9a: {  	[timem:s5], [sflag:s20] =	dma.local [hbm:s3], s18  }
0x9b: {  	_ =	swait.ge [sflag:s20], s18  }
0x9c: {  	s2 =	ssub.s32 $0x0, s18;
	[sflag:s20] =	ssyncset.done $0x0  }
0x9d: {  	[sflag:s20] =	ssyncadd.s32 s2;
	_ =	sdelay $0x1  }
0x9e: {  	s21 =	simm.s32 $0x1B8B  }
0x9f: {  	_ =	swait.ge [sflag:s21], $0x1  }
0xa0: {  	[sflag:s21] =	ssyncset.done $0x0  }
0xa1: {  	s23 =	simm.s32 $0x1B8E;
	s22 =	sld [smem:$0x3FFE];
	[sflag:s21] =	ssyncadd.s32 $0xFFFFFFFF  }
0xa2: {  	s24 =	simm.s32 $execute0_lowered;
	[smem:$0x3FD2] =	sst s23  }
0xa3: {  	s3 =	sshll.u32 s24, $0x1;
	_ =	strace $0x80000046;
	[dreg:$0x1] =	wrdreg $0xFFFFFFFF  }
0xa4: {  	s25 =	simm.s32 $_size_execute0_lowered;
	s1 =	sadd.s32 s1, s3;
	[dreg:$0x0] =	wrdreg $0x0  }
0xa5: {  	s3 =	sshll.u32 s25, $0x1;
	[dreg:$0x2] =	wrdreg s1  }
0xa6: {  	[dreg:$0x3] =	wrdreg s3  }
0xa7: {  	[dreg:$0x4] =	wrdreg $0xC0  }
0xa8: {  	_ =	task [dreg:s5], $0x5FFFF  }
0xa9: {  	[dreg:$0x1] =	wrdreg $0xFFFFFFFF  }
0xaa: {  	[dreg:$0x0] =	wrdreg $0x60  }
0xab: {  	[dreg:$0x2] =	wrdreg s0  }
0xac: {  	[dreg:$0x3] =	wrdreg s22  }
0xad: {  	[dreg:$0x4] =	wrdreg $0x9  }
0xae: {  	_ =	task.clear_ibuf [dreg:s5], $0x5FFFF;
	_ =	strace $0x90000046  }
0xaf: {  	s26 =	simm.s32 $0x9;
	_ =	strace $0x80000048  }
0xb0: {  	_ =	swait.ge [sflag:s26], $0x1  }
0xb1: {  	[sflag:s26] =	ssyncadd.s32 $0xFFFFFFFF  }
0xb2: {  	_ =	strace $0x90000048  }
0xb3: {  	_ =	sfence  }
0xb4: {  	s28 =	sld [smem:$0x0];
	_ =	sdelay $0x1  }
0xb5: {  	s29 =	srdreg.scid  }
0xb6: {  	s30 =	sshll.u32 s29, $0xD;
	s31 =	sshrl.u32 s29, $0x2  }
0xb7: {  	s2 =	sand.u32 $0x4000, s30;
	s1 =	sand.u32 $0x1, s29;
	s0 =	sadd.s32 s31, s28  }
0xb8: {  	s1 =	sor.u32 s2, s1;
	s0 =	sshll.u32 s0, $0x11  }
0xb9: {  	s0 =	sor.u32 s0, s1  }
0xba: {  	s0 =	sadd.s32 $0x8F2B, s0  }
0xbb: {  	[sflag:s0] =	ssyncadd.remote.s32 $0x1  }
0xbc: {  	_ =	sfence.sel $0xFFFF  }
0xbd: {  	[dreg:$0x0] =	wrdreg $0xFFFFFFFF;
	(pc) =	sbr.abs _section_cstart, $3  }
0xbe: {  	[dreg:$0x1] =	wrdreg $0xFFFFFFFF  }
0xbf: {  	_ =	task.clear_ibuf [dreg:s5], $0x2FFFF;
	_ =	strace $0x9FFFFFFF  }
0xc0: {  	(tm) =	ssettm $0x7FFFFFFF  }
0xc1: {  	_ =	shalt  }
tec
execute0_lowered:
.L_overlay_start_1:
0x0: {  	(tag) =	ssettag $0x1  }
0x1: {  	s2 =	rddreg [dreg:$0x0]  }
0x2: {  	s3 =	rddreg [dreg:$0x1]  }
0x3: {  	s0 =	rddreg [dreg:$0x2];
	_ =	strace $0x80000047;
	s4 =	simm.s32 $0x1  }
0x4: {  	s1 =	stileid.u32;
	s7 =	simm.s32 $0x1;
	s8 =	simm.s32 $0x1  }
0x5: {  	s6 =	simm.s32 $0x2;
	s9 =	simm.s32 $0x3;
	s10 =	simm.s32 $0x0  }
.Ltmp0:
0x6: {  	s13 =	simm.s32 $0x0;
	p0 =	slt.u32 s1, $0xA;
	(pc) =	sbr.rel .LBB2_1-.Ltmp0, $4  }
0x7: {  	[sflag:s4] =	ssyncpa.u1 $0x0;
	s7 =	simm.s32 @!p0 $0x0;
	p0 =	sne.s32 s1, $0x9  }
0x8: {  	s5 =	smul.u32 $0x190, s1;
	[sflag:s6] =	ssyncpa.u1 $0x0;
	s8 =	simm.s32 @!p0 $0x0  }
0x9: {  	s12 =	simm.s32 $0x0;
	[sflag:s9] =	ssyncpa.u1 $0x0;
	s7 =	sadd.s32 s8, s7  }
0xa: {  	vm0 =	vmmov $0xffff;
	s11 =	smov.u32 s5;
	s8 =	sadd.s32 $0x600, s3;
	s9 =	sadd.s32 $0x1, s7  }
.LBB2_4:
0xb: {  	vm1 =	veq.s32 v4, $0x80000000;
	v56 =	vand.u32 $0x1, v4;
	v6 =	vand.u32 $0x1FFF, v6  }
0xc: {  	v2 =	vor.u32 v2, v5;
	v59 =	vshrl.u32 v1, $0x1;
	v60 =	vand.u32 $0x1, v1  }
0xd: {  	v4 =	vsel vm1, $0xFFFFFFFF, v56;
	v6 =	vsel vm1, $0xFFFFFFFF, v6;
	v2 =	vor.u32 v3, v2  }
0xe: {  	vm1 =	veq.s32 v1, $0x80000000;
	v5 =	vand.u32 $0x1FFF, v59;
	v7 =	vshrl.u32 v4, $0x1  }
0xf: {  	v57 =	vshll.u32 v6, $0x1;
	v4 =	vshll.u32 v4, $0x7;
	v1 =	vsel vm1, $0xFFFFFFFF, v60  }
0x10: {  	v5 =	vsel vm1, $0xFFFFFFFF, v5;
	v6 =	vand.u32 $0x7F, v6;
	v7 =	vmul.u32 $0x2800, v7  }
0x11: {  	v58 =	vand.u32 $0xFFFFFF00, v57;
	v4 =	vand.u32 $0x80, v4;
	v61 =	vshrl.u32 v1, $0x1  }
0x12: {  	v62 =	vshll.u32 v5, $0x1;
	v3 =	vadd.s32 v7, v58;
	v7 =	vmul.u32 $0x2800, v61  }
0x13: {  	v1 =	vshll.u32 v1, $0x7;
	v3 =	vor.u32 v4, v3;
	v4 =	vand.u32 $0xFFFFFF00, v62  }
0x14: {  	v1 =	vand.u32 $0x80, v1;
	v3 =	vor.u32 v6, v3;
	v4 =	vadd.s32 v7, v4  }
0x15: {  	[tilespmem:s16], [sflag:$0x1] =	stream.indirect_vreg.gather [hbm4b:s2+s10], $0x1, v0, vm0, $0x4038;
	v63 =	vand.u32 $0x7F, v5;
	v1 =	vor.u32 v1, v4;
	[tilespmem:$0x640] =	vst v63  }
0x16: {  	s15 =	sadd.s32 $0x10, s15;
	(ifvalue) =	ssetifvalue $0x7FFFFFFF;
	v0 =	vor.u32 v63, v1  }
0x17: {  	[tilespmem:s15], [sflag:$0x1] =	stream.indirect_vreg.gather [hbm4b:s2+s10], $0x1, v2, vm0, $0x4038;
	[tilespmem:$0x640] =	vst v63  }
0x18: {  	s15 =	sadd.s32 $0x10, s15;
	(ifvalue) =	ssetifvalue $0x7FFFFFFF  }
0x19: {  	[tilespmem:s15], [sflag:$0x1] =	stream.indirect_vreg.gather [hbm4b:s2+s10], $0x1, v3, vm0, $0x4038;
	[tilespmem:$0x640] =	vst v63  }
0x1a: {  	s15 =	sadd.s32 $0x10, s15;
	(ifvalue) =	ssetifvalue $0x7FFFFFFF  }
0x1b: {  	[tilespmem:s15], [sflag:$0x1] =	stream.indirect_vreg.gather [hbm4b:s2+s10], $0x1, v0, vm0, $0x4038;
	[tilespmem:$0x640] =	vst v63  }
0x1c: {  	_ =	swait.ge [sflag:s4], $0x190  }
0x1d: {  	s30 =	sshrl.u32 s13, $0x3;
	[sflag:s4] =	ssyncset.done $0x0  }
0x1e: {  	s31 =	sand.u32 $0x7, s13;
	s15 =	sadd.s32 s8, s30;
	[sflag:s4] =	ssyncadd.s32 $0xFFFFFE70  }
0x1f: {  	[hbm4b:s15+s31] =	stream.linear.scatter [tilespmem:s14], [sflag:$0x3], $0x190, $0x38;
	[tilespmem:$0x640] =	vst v63  }
.LBB2_5:
0x20: {  	s15 =	sadd.s32 $0x1900, s11  }
0x21: {  	p1 =	sgt.s32 s15, $0x270F  }
0x22: {  	s15 =	smov.u32 @p1 s5;
	p1 =	sne.s32 s12, s9  }
.Ltmp1:
0x23: {  	p0 =	slt.u32 s12, $0x2;
	(pc) =	sbr.rel @!p1 .LBB2_6-.Ltmp1, $4  }
0x24: {  	s14 =	simm.s32 @!p0 $0x3  }
0x25: {  	_ =	swait.ge @!p0 [sflag:s14], $0x190  }
0x26: {  	s16 =	sadd.s32 $0x1, s12;
	s13 =	smov.u32 s11;
	[sflag:s14] =	ssyncset.done @!p0 $0x0  }
0x27: {  	s12 =	smov.u32 s16;
	s11 =	smov.u32 s15;
	[sflag:s14] =	ssyncadd.s32 @!p0 $0xFFFFFE70  }
.LBB2_1:
0x28: {  	p0 =	sge.u32 s12, s7  }
0x29: {  	s14 =	sxor.u32 @!p0 $0x1, s12  }
0x2a: {  	s14 =	smul.u32 @!p0 $0x640, s14  }
0x2b: {  	s31 =	sadd.s32 $0xFFFFFFFF, s12;
	s15 =	sshrl.u32 @!p0 s11, $0x3  }
0x2c: {  	s16 =	sand.u32 @!p0 $0x7, s11;
	s15 =	sadd.s32 @!p0 s3, s15;
	s14 =	sshra.s32 @!p0 s14, $0x2  }
0x2d: {  	[tilespmem:s14], [sflag:$0x2] =	stream.linear.gather @!p0 [hbm4b:s15+s16], $0x190, $0x38;
	[tilespmem:$0x640] =	vst v63  }
0x2e: {  	p0 =	sge.u32 s31, s7  }
.Ltmp2:
0x2f: {  	_ = 	snop;
	(pc) =	sbr.rel @p0 .LBB2_5-.Ltmp2, $1  }
0x30: {  	_ =	sdelay $0x3  }
0x31: {  	s14 =	sand.u32 $0x1, s12  }
0x32: {  	_ =	swait.ge [sflag:s6], $0x190;
	p0 =	seq.s32 s14, $0x1;
	s14 =	simm.s32 $0x190  }
0x33: {  	[sflag:s6] =	ssyncset.done $0x0;
	s14 =	simm.s32 @!p0 $0x0  }
0x34: {  	[sflag:s6] =	ssyncadd.s32 $0xFFFFFE70;
	(ifvalue) =	ssetifvalue $0x7FFFFFFF;
	v0 =	vld.msk [tilespmem:s14+$0x0 ss:$0x1], $0xffff  }
0x35: {  	s15 =	sadd.s32 $0x10, s14  }
0x36: {  	v1 =	vld.msk [tilespmem:s15+$0x0 ss:$0x1], $0xffff;
	_ =	sdelay $0x2  }
0x37: {  	v2 =	vshrl.u32 v0, $0x1  }
0x38: {  	vm1 =	veq.s32 v0, $0x80000000;
	v0 =	vand.u32 $0x1, v0;
	v2 =	vand.u32 $0x1FFF, v2  }
0x39: {  	v0 =	vsel vm1, $0xFFFFFFFF, v0;
	v6 =	vshrl.u32 v1, $0x1;
	v2 =	vsel vm1, $0xFFFFFFFF, v2  }
0x3a: {  	v3 =	vshrl.u32 v0, $0x1;
	v0 =	vshll.u32 v0, $0x7;
	vm1 =	veq.s32 v1, $0x80000000  }
0x3b: {  	s15 =	sadd.s32 $0x10, s15;
	v1 =	vand.u32 $0x1, v1;
	v4 =	vshll.u32 v2, $0x1;
	v3 =	vmul.u32 $0x2800, v3  }
0x3c: {  	v0 =	vand.u32 $0x80, v0;
	v7 =	vand.u32 $0x7F, v2;
	v5 =	vand.u32 $0xFFFFFF00, v4;
	v4 =	vld.msk [tilespmem:s15+$0x0 ss:$0x1], $0xffff  }
0x3d: {  	v1 =	vsel vm1, $0xFFFFFFFF, v1;
	v2 =	vadd.s32 v3, v5;
	v3 =	vand.u32 $0x1FFF, v6  }
0x3e: {  	v3 =	vsel vm1, $0xFFFFFFFF, v3;
	v0 =	vor.u32 v0, v2;
	v2 =	vshrl.u32 v1, $0x1  }
0x3f: {  	v1 =	vshll.u32 v1, $0x7;
	v5 =	vshll.u32 v3, $0x1;
	v8 =	vmul.u32 $0x2800, v2  }
0x40: {  	s18 =	simm.s32 $0x30;
	s14 =	sadd.s32 $0x320, s14;
	s17 =	sadd.s32 $0x10, s15;
	v2 =	vand.u32 $0x80, v1;
	v0 =	vor.u32 v7, v0;
	v5 =	vand.u32 $0xFFFFFF00, v5  }
0x41: {  	s16 =	smov.u32 s14;
	s15 =	smov.u32 s14;
	v1 =	vld.msk [tilespmem:s17+$0x0 ss:$0x1], $0xffff;
	v3 =	vand.u32 $0x7F, v3;
	(ifvalue) =	ssetifvalue $0x7FFFFFFF;
	v6 =	vshrl.u32 v4, $0x1;
	v5 =	vadd.s32 v8, v5  }
.LBB2_3:
0x42: {  	s18 =	sadd.s32 $0x10, s18  }
0x43: {  	vm1 =	veq.s32 v4, $0x80000000;
	v4 =	vand.u32 $0x1, v4;
	v6 =	vand.u32 $0x1FFF, v6;
	s15 =	sadd.s32 $0x10, s15;
	p0 =	slt.u32 s18, $0x180  }
.Ltmp3:
0x44: {  	v5 =	vor.u32 v2, v5;
	v4 =	vsel vm1, $0xFFFFFFFF, v4;
	v7 =	vsel vm1, $0xFFFFFFFF, v6;
	(pc) =	sbr.rel @p0 .LBB2_3-.Ltmp3, $4  }
0x45: {  	v2 =	vshrl.u32 v4, $0x1;
	v6 =	vshll.u32 v7, $0x1;
	v4 =	vshll.u32 v4, $0x7;
	[tilespmem:s16], [sflag:$0x1] =	stream.indirect_vreg.gather [hbm4b:s2+s10], $0x1, v0, vm0, $0x4038;
	[tilespmem:$0x640] =	vst v63  }
0x46: {  	v0 =	vor.u32 v3, v5;
	s16 =	smov.u32 s15;
	v8 =	vmul.u32 $0x2800, v2;
	v2 =	vand.u32 $0x80, v4  }
0x47: {  	s17 =	sadd.s32 $0x10, s17;
	v9 =	vand.u32 $0xFFFFFF00, v6  }
0x48: {  	v3 =	vand.u32 $0x7F, v7;
	v6 =	vshrl.u32 v1, $0x1;
	v5 =	vadd.s32 v8, v9;
	(ifvalue) =	ssetifvalue $0x7FFFFFFF;
	v4 =	vmovc v1;
	v1 =	vld.msk [tilespmem:s17+$0x0 ss:$0x1], $0xffff  }
.Ltmp4:
0x49: {  	_ = 	snop;
	(pc) =	sbr.rel .LBB2_4-.Ltmp4, $1  }
0x4a: {  	_ =	sdelay $0x3  }
.LBB2_6:
0x4b: {  	_ =	sfence.sel $0x180000  }
0x4c: {  	s2 =	simm.s32 $0x2;
	[bflag:$0x0] =	sbarrier.arrive $0xFFFF  }
0x4d: {  	s30 =	simm.s32 $0x3;
	[sflag:s2] =	ssyncpa.u1 $0x1  }
0x4e: {  	s31 =	simm.s32 $0x1;
	[sflag:s30] =	ssyncpa.u1 $0x1  }
0x4f: {  	[sflag:s31] =	ssyncpa.u1 $0x1  }
0x50: {  	p0 =	sne.s32 s1, $0x0;
	_ =	strace $0x90000047  }
0x51: {  	s0 =	sadd.s32 @!p0 $0x100000, s0;
	[bflag:$0x2] =	sbarrier.arrive $0xFFFF  }
0x52: {  	[sflag:s0] =	ssyncadd.tile.s32 @!p0 $0x1;
	_ =	shalt  }
.Lfunc_end2:
_tile_overlayer_lowered:
.L_overlay_start_2:
0x53: {  	(tag) =	ssettag $0x2  }
0x54: {  	s0 =	rddreg [dreg:$0x0];
	s2 =	stileid.u32  }
0x55: {  	s1 =	rddreg [dreg:$0x1];
	p0 =	sne.s32 s2, $0x0  }
0x56: {  	s3 =	rddreg [dreg:$0x2];
	[bflag:$0x3] =	sbarrier.arrive $0xFFFF;
	s2 =	simm.s32 @!p0 $0x1C01  }
0x57: {  	[timem:s3], [sflag:s2] =	dma.local @!p0 [hbm:s0], s1  }
0x58: {  	s0 =	simm.s32 @!p0 $0x1  }
0x59: {  	_ =	swait.ge @!p0 [sflag:s0], s1  }
0x5a: {  	s1 =	ssub.s32 @!p0 $0x0, s1;
	[sflag:s0] =	ssyncset.done @!p0 $0x0  }
0x5b: {  	[sflag:s0] =	ssyncadd.s32 @!p0 s1  }
0x5c: {  	[bflag:$0x3] =	sbarrier.arrive $0xFFFF  }
0x5d: {  	_ =	shalt  }

// kernel: gather_offload_async_start
scs
__scs_entry_jumppad:
0x0: {  	(pc) =	sbr.rel $0x88, $3  }
0x1: {  	(tag) =	ssettag $0x0;
	lr =	simm.s32 $0x1  }
0x2: {  	[smem:$0x3F9F] =	sst lr;
	_ =	strace $0xD0000000  }
0x3: {  	_ = 	snop  }
0x4: {  	_ = 	snop  }
0x5: {  	_ = 	snop  }
0x6: {  	_ = 	snop  }
0x7: {  	_ = 	snop  }
__scs_overlays_trampoline_lowered:
0x8: {  	[smem:$0x3FAE] =	sst s0  }
0x9: {  	[smem:$0x3FAF] =	sst s1  }
0xa: {  	[smem:$0x3FB0] =	sst s2  }
0xb: {  	[smem:$0x3FB1] =	sst s3  }
0xc: {  	[smem:$0x3FB2] =	sst s4  }
0xd: {  	[smem:$0x3FB3] =	sst s5  }
0xe: {  	[smem:$0x3FB4] =	sst s6  }
0xf: {  	[smem:$0x3FB5] =	sst s7  }
0x10: {  	[smem:$0x3FB6] =	sst s8  }
0x11: {  	[smem:$0x3FB7] =	sst s9;
	s0 =	simm.s32 @!p0 $0x0  }
0x12: {  	s1 =	sld [smem:$0x3F9D];
	s0 =	simm.s32 @p0 $0x1  }
0x13: {  	[smem:$0x3FB8] =	sst s0;
	s0 =	simm.s32 @!p1 $0x0  }
0x14: {  	s2 =	sld [smem:$0x3F9C];
	s0 =	simm.s32 @p1 $0x1  }
0x15: {  	[smem:$0x3FB9] =	sst s0;
	s0 =	simm.s32 @!p2 $0x0  }
0x16: {  	s3 =	sld [smem:$0x3FDB];
	s0 =	simm.s32 @p2 $0x1  }
0x17: {  	s4 =	simm.s32 $0x1BF5;
	[smem:$0x3FBB] =	sst s0  }
0x18: {  	s0 =	sld [smem:$0x3F9E];
	_ =	swait.ge [sflag:s4], $0x0  }
0x19: {  	s7 =	sld [smem:$0x3F9F]  }
0x1a: {  	s8 =	sadd.s32 $0xFFFFE003, lr  }
0x1b: {  	s9 =	sadd.s32 $0xFFFFFEF7, lr;
	s5 =	simm.s32 $0xFFFFFFFF;
	p2 =	slt.u32 s8, $0xFFFFF086  }
0x1c: {  	p1 =	slt.u32 s9, $0xF7A;
	s5 =	simm.s32 @!p2 $0x0  }
0x1d: {  	s5 =	simm.s32 @p1 $0x1;
	p0 =	seq.s32 s7, s2  }
0x1e: {  	s7 =	smul.u32 @!p0 $0xF7A, s2;
	p2 =	seq.s32 @!p0 s5, $0x0  }
0x1f: {  	s9 =	smul.u32 $0xF7A, s1;
	s8 =	simm.s32 @!p0 $0x1BF5;
	p2 =	por !p2, p0  }
0x20: {  	[sflag:s8] =	ssyncset.s32 @!p0 $0xFFFFF086;
	s6 =	sadd.s32 @!p0 s3, s7;
	s7 =	simm.s32 @!p0 $0x108  }
0x21: {  	s3 =	sadd.s32 s3, s9;
	s6 =	sadd.s32 @!p0 $0x88, s6;
	s7 =	simm.s32 @p2 $0x1082  }
0x22: {  	[simem:s7], [sflag:s8] =	dma.local @!p0 [hbm:s6], $0xF7A  }
0x23: {  	s9 =	sor.u32 $0xD0000000, s2;
	s6 =	simm.s32 $0x108;
	_ =	swait.ge @!p0 [sflag:s8], $0x0  }
0x24: {  	s3 =	sadd.s32 $0x88, s3;
	s6 =	simm.s32 @!p1 $0x1082;
	[sflag:s4] =	ssyncset.s32 $0xFFFFF086  }
0x25: {  	[simem:s6], [sflag:s4] =	dma.local [hbm:s3], $0xF7A  }
0x26: {  	[smem:$0x3F9F] =	sst s1;
	(tag) =	ssettag s2;
	_ =	strace s9  }
0x27: {  	s1 =	sld [smem:$0x3FAF]  }
0x28: {  	s2 =	sld [smem:$0x3FB0]  }
0x29: {  	s4 =	sld [smem:$0x3FB2]  }
0x2a: {  	p0 =	seq.s32 s5, $0x0;
	s5 =	sld [smem:$0x3FB3]  }
0x2b: {  	s6 =	sld [smem:$0x3FB4]  }
0x2c: {  	s7 =	sld [smem:$0x3FB5]  }
0x2d: {  	s3 =	simm.s32 $0x108;
	s8 =	sld [smem:$0x3FB6]  }
0x2e: {  	s3 =	simm.s32 @!p0 $0x1082;
	s9 =	sld [smem:$0x3FB7]  }
0x2f: {  	lr =	sadd.s32 s0, s3;
	s0 =	sld [smem:$0x3FAE]  }
0x30: {  	s3 =	sld [smem:$0x3FB1]  }
0x31: {  	[smem:$0x3FBA] =	sst s10  }
0x32: {  	s10 =	sld [smem:$0x3FB8];
	_ =	sdelay $0x3  }
0x33: {  	p0 =	seq.s32 s10, $0x1;
	s10 =	sld [smem:$0x3FBA];
	_ =	sdelay $0x3  }
0x34: {  	[smem:$0x3FBA] =	sst s10  }
0x35: {  	s10 =	sld [smem:$0x3FB9];
	_ =	sdelay $0x3  }
0x36: {  	p1 =	seq.s32 s10, $0x1;
	s10 =	sld [smem:$0x3FBA];
	_ =	sdelay $0x3  }
0x37: {  	[smem:$0x3FBA] =	sst s10  }
0x38: {  	s10 =	sld [smem:$0x3FBB]  }
0x39: {  	_ = 	snop;
	(pc) =	sbr.ind lr, $3  }
0x3a: {  	_ = 	snop  }
0x3b: {  	_ = 	snop  }
0x3c: {  	p2 =	seq.s32 s10, $0x1;
	s10 =	sld [smem:$0x3FBA]  }
0x3d: {  	_ =	shalt  }
0x3e: {  	_ =	shalt  }
0x3f: {  	_ =	shalt  }
0x40: {  	_ =	shalt  }
0x41: {  	_ =	shalt  }
0x42: {  	_ =	shalt  }
0x43: {  	_ =	shalt  }
0x44: {  	_ =	shalt  }
0x45: {  	_ =	shalt  }
0x46: {  	_ =	shalt  }
0x47: {  	_ =	shalt  }
0x48: {  	_ =	shalt  }
0x49: {  	_ =	shalt  }
0x4a: {  	_ =	shalt  }
0x4b: {  	_ =	shalt  }
0x4c: {  	_ =	shalt  }
0x4d: {  	_ =	shalt  }
0x4e: {  	_ =	shalt  }
0x4f: {  	_ =	shalt  }
0x50: {  	_ =	shalt  }
0x51: {  	_ =	shalt  }
0x52: {  	_ =	shalt  }
0x53: {  	_ =	shalt  }
0x54: {  	_ =	shalt  }
0x55: {  	_ =	shalt  }
0x56: {  	_ =	shalt  }
0x57: {  	_ =	shalt  }
0x58: {  	_ =	shalt  }
0x59: {  	_ =	shalt  }
0x5a: {  	_ =	shalt  }
0x5b: {  	_ =	shalt  }
0x5c: {  	_ =	shalt  }
0x5d: {  	_ =	shalt  }
0x5e: {  	_ =	shalt  }
0x5f: {  	_ =	shalt  }
0x60: {  	_ =	shalt  }
0x61: {  	_ =	shalt  }
0x62: {  	_ =	shalt  }
0x63: {  	_ =	shalt  }
0x64: {  	_ =	shalt  }
0x65: {  	_ =	shalt  }
0x66: {  	_ =	shalt  }
0x67: {  	_ =	shalt  }
0x68: {  	_ =	shalt  }
0x69: {  	_ =	shalt  }
0x6a: {  	_ =	shalt  }
0x6b: {  	_ =	shalt  }
0x6c: {  	_ =	shalt  }
0x6d: {  	_ =	shalt  }
0x6e: {  	_ =	shalt  }
0x6f: {  	_ =	shalt  }
0x70: {  	_ =	shalt  }
0x71: {  	_ =	shalt  }
0x72: {  	_ =	shalt  }
0x73: {  	_ =	shalt  }
0x74: {  	_ =	shalt  }
0x75: {  	_ =	shalt  }
0x76: {  	_ =	shalt  }
0x77: {  	_ =	shalt  }
0x78: {  	_ =	shalt  }
0x79: {  	_ =	shalt  }
0x7a: {  	_ =	shalt  }
0x7b: {  	_ =	shalt  }
0x7c: {  	_ =	shalt  }
0x7d: {  	_ =	shalt  }
0x7e: {  	_ =	shalt  }
0x7f: {  	_ =	shalt  }
0x80: {  	_ =	shalt  }
0x81: {  	_ =	shalt  }
0x82: {  	_ =	shalt  }
0x83: {  	_ =	shalt  }
0x84: {  	_ =	shalt  }
0x85: {  	_ =	shalt  }
0x86: {  	_ =	shalt  }
0x87: {  	_ =	shalt  }
.Lfunc_end0:
.L_simem_size_0:
called_computation_lowered:
.L_overlay_start_0:
0x88: {  	s0 =	sld [smem:$0x3FD9]  }
0x89: {  	s1 =	sld [smem:$0x3FFE];
	_ =	sdelay $0x3  }
0x8a: {  	s0 =	sadd.s32 s1, s0  }
0x8b: {  	[smem:$0x3FC6] =	sst s0  }
0x8c: {  	_ = 	snop  }
0x8d: {  	(tm) =	ssettm $0x1  }
0x8e: {  	s15 =	sld [smem:$0x3FFB];
	_ =	sdelay $0x3  }
0x8f: {  	_ =	strace s15  }
0x90: {  	s0 =	sld [smem:$0x3FFC];
	_ =	sdelay $0x3  }
0x91: {  	_ =	strace s0  }
0x92: {  	s0 =	sld [smem:$0x3FFD];
	_ =	sdelay $0x3  }
0x93: {  	_ =	strace s0  }
0x94: {  	_ =	strace $0x8FFFFFFF  }
0x95: {  	s16 =	sld [smem:$0x3FDB];
	_ =	sdelay $0x1  }
0x96: {  	s17 =	simm.s32 $_scs_section_size  }
0x97: {  	s2 =	simm.s32 $_size__tile_overlayer_lowered;
	s3 =	simm.s32 $_tile_overlayer_lowered  }
0x98: {  	s20 =	simm.s32 $0x1BFF;
	s19 =	sshll.u32 s3, $0x1;
	s0 =	sadd.s32 s17, s16  }
0x99: {  	s4 =	simm.s32 $0x0;
	s18 =	sshll.u32 s2, $0x1;
	s2 =	sadd.s32 s19, s0  }
0x9a: {  	[timem:s4], [sflag:s20] =	dma.local [hbm:s2], s18  }
0x9b: {  	_ =	swait.ge [sflag:s20], s18  }
0x9c: {  	s1 =	ssub.s32 $0x0, s18;
	[sflag:s20] =	ssyncset.done $0x0  }
0x9d: {  	[sflag:s20] =	ssyncadd.s32 s1;
	_ =	sdelay $0x1  }
0x9e: {  	s21 =	simm.s32 $0x1B8B  }
0x9f: {  	_ =	swait.ge [sflag:s21], $0x1  }
0xa0: {  	[sflag:s21] =	ssyncset.done $0x0  }
0xa1: {  	s23 =	simm.s32 $0x1B8E;
	s22 =	sld [smem:$0x3FFE];
	[sflag:s21] =	ssyncadd.s32 $0xFFFFFFFF  }
0xa2: {  	s24 =	simm.s32 $execute0_lowered;
	[smem:$0x3FD2] =	sst s23  }
0xa3: {  	s2 =	sshll.u32 s24, $0x1;
	_ =	strace $0x80000049;
	[dreg:$0x1] =	wrdreg $0xFFFFFFFF  }
0xa4: {  	s25 =	simm.s32 $_size_execute0_lowered;
	s0 =	sadd.s32 s0, s2;
	[dreg:$0x0] =	wrdreg $0x0  }
0xa5: {  	s2 =	sshll.u32 s25, $0x1;
	[dreg:$0x2] =	wrdreg s0  }
0xa6: {  	[dreg:$0x3] =	wrdreg s2  }
0xa7: {  	[dreg:$0x4] =	wrdreg $0xC0  }
0xa8: {  	_ =	task [dreg:s4], $0x5FFFF  }
0xa9: {  	[dreg:$0x1] =	wrdreg $0xFFFFFFFF  }
0xaa: {  	[dreg:$0x0] =	wrdreg $0x60  }
0xab: {  	[dreg:$0x2] =	wrdreg s22  }
0xac: {  	[dreg:$0x3] =	wrdreg $0x9  }
0xad: {  	_ =	task.clear_ibuf [dreg:s4], $0x4FFFF;
	_ =	strace $0x90000049  }
0xae: {  	s26 =	simm.s32 $0x9;
	_ =	strace $0x8000004B  }
0xaf: {  	_ =	swait.ge [sflag:s26], $0x1  }
0xb0: {  	[sflag:s26] =	ssyncadd.s32 $0xFFFFFFFF  }
0xb1: {  	_ =	strace $0x9000004B  }
0xb2: {  	_ =	sfence  }
0xb3: {  	s28 =	sld [smem:$0x0];
	_ =	sdelay $0x1  }
0xb4: {  	s29 =	srdreg.scid  }
0xb5: {  	s30 =	sshll.u32 s29, $0xD;
	s31 =	sshrl.u32 s29, $0x2  }
0xb6: {  	s1 =	sand.u32 $0x1, s29;
	s2 =	sand.u32 $0x4000, s30;
	s0 =	sadd.s32 s31, s28  }
0xb7: {  	s1 =	sor.u32 s2, s1;
	s0 =	sshll.u32 s0, $0x11  }
0xb8: {  	s0 =	sor.u32 s0, s1  }
0xb9: {  	s0 =	sadd.s32 $0x8F2B, s0  }
0xba: {  	[sflag:s0] =	ssyncadd.remote.s32 $0x1  }
0xbb: {  	_ =	sfence.sel $0xFFFF  }
0xbc: {  	[dreg:$0x0] =	wrdreg $0xFFFFFFFF;
	(pc) =	sbr.abs _section_cstart, $3  }
0xbd: {  	[dreg:$0x1] =	wrdreg $0xFFFFFFFF  }
0xbe: {  	_ =	task.clear_ibuf [dreg:s4], $0x2FFFF;
	_ =	strace $0x9FFFFFFF  }
0xbf: {  	(tm) =	ssettm $0x7FFFFFFF  }
tec
execute0_lowered:
.L_overlay_start_1:
0x0: {  	(tag) =	ssettag $0x1  }
0x1: {  	s0 =	stileid.u32  }
0x2: {  	s1 =	smin.u32 s0, $0x9  }
0x3: {  	s1 =	sadd.s32 s0, s1  }
0x4: {  	s2 =	simm.s32 $0x320;
	p0 =	slt.u32 s0, $0x9;
	s1 =	smul.u32 $0x190, s1  }
0x5: {  	s2 =	simm.s32 @!p0 $0x190  }
0x6: {  	s2 =	sadd.s32 s2, s1  }
0x7: {  	s3 =	smin.u32 s2, $0x2710  }
0x8: {  	s7 =	ssub.s32 s3, s1  }
0x9: {  	p0 =	sgt.s32 s7, $0x0  }
0xa: {  	s7 =	simm.s32 @!p0 $0x0  }
0xb: {  	s31 =	sand.u32 $0xFFF0, s7  }
0xc: {  	s2 =	sshrl.u32 s31, $0x4  }
0xd: {  	s2 =	smul.u32 $0xA3E, s2  }
0xe: {  	s4 =	rddreg [dreg:$0x0];
	s6 =	simm.s32 $0x1  }
0xf: {  	s10 =	simm.s32 $0x3;
	s13 =	simm.s32 $0x0;
	s8 =	sshrl.u32 s2, $0x10  }
0x10: {  	s12 =	simm.s32 $0x0;
	s5 =	sadd.s32 $0xC00, s4;
	s9 =	smul.u32 $0x190, s8  }
.Ltmp0:
0x11: {  	s11 =	smov.u32 s1;
	s2 =	rddreg [dreg:$0x1];
	(pc) =	sbr.rel .LBB2_1-.Ltmp0, $4  }
0x12: {  	_ =	strace $0x8000004A;
	p0 =	sne.s32 s7, s9;
	s9 =	simm.s32 $0x1  }
0x13: {  	[sflag:s6] =	ssyncpa.u1 $0x0;
	s7 =	simm.s32 $0x2;
	s9 =	simm.s32 @!p0 $0x0  }
0x14: {  	[sflag:s7] =	ssyncpa.u1 $0x0;
	p0 =	por $0x0, $0x0;
	s8 =	sadd.s32 s8, s9  }
0x15: {  	v0 =	vimm.s32 $0x0;
	vm0 =	vmmov $0xff;
	vm1 =	vcmask $0x3F20;
	s9 =	sadd.s32 $0x27E00, s4;
	[sflag:s10] =	ssyncpa.u1 $0x0;
	s10 =	sadd.s32 $0x1, s8  }
.LBB2_6:
0x16: {  	[hbm:s17] =	stream.linear.scatter [tilespmem:s14], [sflag:$0x3], $0x400, $0x38;
	[tilespmem:$0x19320] =	vst v63  }
.LBB2_7:
0x17: {  	s13 =	sadd.s32 $0x190, s11  }
0x18: {  	s15 =	smov.u32 s1;
	p2 =	slt.s32 s13, s3  }
0x19: {  	s15 =	smov.u32 @p2 s13;
	p2 =	sne.s32 s12, s10  }
.Ltmp1:
0x1a: {  	p1 =	slt.u32 s12, $0x2;
	(pc) =	sbr.rel @!p2 .LBB2_8-.Ltmp1, $4  }
0x1b: {  	s14 =	simm.s32 @!p1 $0x3  }
0x1c: {  	s16 =	sadd.s32 $0x1, s12;
	_ =	swait.ge @!p1 [sflag:s14], $0xC800  }
0x1d: {  	p0 =	por !p0, !p0;
	s13 =	smov.u32 s11;
	[sflag:s14] =	ssyncset.done @!p1 $0x0  }
0x1e: {  	s12 =	smov.u32 s16;
	s11 =	smov.u32 s15;
	[sflag:s14] =	ssyncadd.s32 @!p1 $0xFFFF3800  }
.LBB2_1:
0x1f: {  	p1 =	sge.u32 s12, s8  }
0x20: {  	s14 =	sxor.u32 @!p1 $0xFFFFFFFF, s12  }
0x21: {  	s14 =	sand.u32 @!p1 $0x1, s14  }
0x22: {  	s14 =	smul.u32 @!p1 $0x640, s14  }
0x23: {  	s31 =	sadd.s32 $0xFFFFFFFF, s12;
	s15 =	sshrl.u32 @!p1 s11, $0x3  }
0x24: {  	s16 =	sand.u32 @!p1 $0x7, s11;
	s15 =	sadd.s32 @!p1 s4, s15;
	s14 =	sshrl.u32 @!p1 s14, $0x2  }
0x25: {  	[tilespmem:s14], [sflag:$0x2] =	stream.linear.gather @!p1 [hbm4b:s15+s16], $0x190, $0x38;
	[tilespmem:$0x19320] =	vst v63  }
0x26: {  	p1 =	sge.u32 s31, s8  }
.Ltmp2:
0x27: {  	_ = 	snop;
	(pc) =	sbr.rel @p1 .LBB2_7-.Ltmp2, $1  }
0x28: {  	_ =	sdelay $0x3  }
0x29: {  	s14 =	simm.s32 $0x1  }
0x2a: {  	s14 =	simm.s32 @!p0 $0x0  }
0x2b: {  	s15 =	smul.u32 $0x640, s14  }
0x2c: {  	_ =	swait.ge [sflag:s7], $0x190  }
0x2d: {  	[sflag:s7] =	ssyncset.done $0x0;
	s16 =	sshrl.u32 s15, $0x2  }
0x2e: {  	[sflag:s7] =	ssyncadd.s32 $0xFFFFFE70;
	s15 =	sadd.s32 $0x0, s16  }
0x2f: {  	v1 =	vld.msk [tilespmem:s15+$0x0 ss:$0x1], $0xffff;
	_ =	sdelay $0x4  }
0x30: {  	v2 =	vand.u32 $0x1, v1;
	v3 =	vshll.u32 v1, $0x6  }
0x31: {  	vm2 =	veq.s32 v1, $0x80000000;
	vm3 =	veq.s32 v2, $0x1;
	v1 =	vand.u32 $0xFFF80, v3  }
0x32: {  	v2 =	vsel vm3, $0x9C400, v0;
	v1 =	vsel vm2, $0xFFFFFF80, v1  }
0x33: {  	v2 =	vsel vm2, $0xFFF63C00, v2;
	v3 =	vand.u32 $0xFFFFFC00, v1  }
0x34: {  	v1 =	vand.u32 $0x380, v1;
	v2 =	vadd.s32 v2, v3  }
0x35: {  	v1 =	vor.u32 v1, v2  }
0x36: {  	v1 =	vshrl.u32 v1, $0x3  }
0x37: {  	s14 =	smul.u32 $0x32000, s14;
	_ =	sdelay $0x1  }
0x38: {  	s14 =	sshrl.u32 s14, $0x2  }
0x39: {  	s14 =	sor.u32 $0x320, s14  }
0x3a: {  	[tilespmem:s14], [sflag:$0x1] =	stream.indirect_vreg.gather [hbm:s5], $0x80, v1, vm0, $0x38;
	[tilespmem:$0x19320] =	vst v63  }
0x3b: {  	s17 =	sadd.s32 $0x10, s16;
	s15 =	sadd.s32 $0x400, s14  }
0x3c: {  	[tilespmem:s15], [sflag:$0x1] =	stream.indirect_vreg.gather [hbm:s5], $0x80, v1, vm1, $0x38;
	[tilespmem:$0x19320] =	vst v63  }
0x3d: {  	s18 =	simm.s32 $0x80;
	v1 =	vld.msk [tilespmem:s17+$0x0 ss:$0x1], $0xffff;
	s17 =	smov.u32 s14  }
.LBB2_3:
0x3e: {  	p1 =	sne.s32 s18, $0x600;
	_ =	sdelay $0x4  }
0x3f: {  	v2 =	vand.u32 $0x1, v1;
	v3 =	vshll.u32 v1, $0x6  }
0x40: {  	vm2 =	veq.s32 v1, $0x80000000;
	vm3 =	veq.s32 v2, $0x1;
	v1 =	vand.u32 $0xFFF80, v3  }
0x41: {  	v2 =	vsel vm3, $0x9C400, v0;
	v1 =	vsel vm2, $0xFFFFFF80, v1  }
0x42: {  	v2 =	vsel vm2, $0xFFF63C00, v2;
	v3 =	vand.u32 $0xFFFFFC00, v1  }
0x43: {  	v1 =	vand.u32 $0x380, v1;
	v2 =	vadd.s32 v2, v3  }
0x44: {  	v1 =	vor.u32 v1, v2  }
0x45: {  	v1 =	vshrl.u32 v1, $0x3;
	_ =	sdelay $0x3  }
.Ltmp3:
0x46: {  	s19 =	sshra.s32 s18, $0x2;
	s17 =	sadd.s32 $0x800, s17;
	(pc) =	sbr.rel @p1 .LBB2_3-.Ltmp3, $4  }
0x47: {  	[tilespmem:s17], [sflag:$0x1] =	stream.indirect_vreg.gather [hbm:s5], $0x80, v1, vm0, $0x38;
	[tilespmem:$0x19320] =	vst v63  }
0x48: {  	s19 =	sadd.s32 s19, s16;
	s20 =	sadd.s32 $0x400, s17  }
0x49: {  	[tilespmem:s20], [sflag:$0x1] =	stream.indirect_vreg.gather [hbm:s5], $0x80, v1, vm1, $0x38;
	[tilespmem:$0x19320] =	vst v63  }
0x4a: {  	s18 =	sadd.s32 $0x40, s18;
	v1 =	vld.msk [tilespmem:s19+$0x0 ss:$0x1], $0xffff  }
0x4b: {  	_ =	sdelay $0x3  }
0x4c: {  	v2 =	vand.u32 $0x1, v1;
	v3 =	vshll.u32 v1, $0x6  }
0x4d: {  	vm2 =	veq.s32 v1, $0x80000000;
	vm3 =	veq.s32 v2, $0x1;
	v1 =	vand.u32 $0xFFF80, v3  }
0x4e: {  	v2 =	vsel vm3, $0x9C400, v0;
	v1 =	vsel vm2, $0xFFFFFF80, v1  }
0x4f: {  	v2 =	vsel vm2, $0xFFF63C00, v2;
	v3 =	vand.u32 $0xFFFFFC00, v1  }
0x50: {  	v1 =	vand.u32 $0x380, v1;
	v2 =	vadd.s32 v2, v3  }
0x51: {  	v1 =	vor.u32 v1, v2  }
0x52: {  	v1 =	vshrl.u32 v1, $0x3;
	_ =	sdelay $0x3  }
0x53: {  	s16 =	sadd.s32 $0x800, s17  }
0x54: {  	[tilespmem:s16], [sflag:$0x1] =	stream.indirect_vreg.gather [hbm:s5], $0x80, v1, vm0, $0x38;
	[tilespmem:$0x19320] =	vst v63  }
0x55: {  	s16 =	sadd.s32 $0x400, s16  }
0x56: {  	[tilespmem:s16], [sflag:$0x1] =	stream.indirect_vreg.gather [hbm:s5], $0x80, v1, vm1, $0x38;
	[tilespmem:$0x19320] =	vst v63  }
0x57: {  	s13 =	sshll.u32 s13, $0x4;
	_ =	swait.ge [sflag:s6], $0xC800  }
0x58: {  	s13 =	sadd.s32 s13, s9;
	[sflag:s6] =	ssyncset.done $0x0  }
0x59: {  	s17 =	sadd.s32 $0x0, s13;
	s16 =	simm.s32 $0x80;
	[sflag:s6] =	ssyncadd.s32 $0xFFFF3800  }
.LBB2_5:
0x5a: {  	[hbm:s17] =	stream.linear.scatter [tilespmem:s14], [sflag:$0x3], $0x400, $0x38;
	[tilespmem:$0x19320] =	vst v63  }
0x5b: {  	s17 =	smov.u32 s16;
	s14 =	smov.u32 s15;
	p1 =	sne.s32 s16, $0x1880  }
.Ltmp4:
0x5c: {  	s16 =	sadd.s32 $0x80, s16;
	(pc) =	sbr.rel @p1 .LBB2_5-.Ltmp4, $2  }
0x5d: {  	_ =	sdelay $0x2  }
0x5e: {  	s15 =	sadd.s32 $0x400, s15;
	s17 =	sadd.s32 s17, s13  }
.Ltmp5:
0x5f: {  	_ = 	snop;
	(pc) =	sbr.rel .LBB2_6-.Ltmp5, $1  }
0x60: {  	_ =	sdelay $0x3  }
.LBB2_8:
0x61: {  	_ =	sfence.sel $0x180000  }
0x62: {  	s1 =	simm.s32 $0x2;
	[bflag:$0x0] =	sbarrier.arrive $0xFFFF  }
0x63: {  	s30 =	simm.s32 $0x3;
	[sflag:s1] =	ssyncpa.u1 $0x1  }
0x64: {  	s31 =	simm.s32 $0x1;
	[sflag:s30] =	ssyncpa.u1 $0x1  }
0x65: {  	[sflag:s31] =	ssyncpa.u1 $0x1  }
0x66: {  	p0 =	sne.s32 s0, $0x0;
	_ =	strace $0x9000004A  }
0x67: {  	s0 =	sadd.s32 @!p0 $0x100000, s2;
	[bflag:$0x2] =	sbarrier.arrive $0xFFFF  }
0x68: {  	[sflag:s0] =	ssyncadd.tile.s32 @!p0 $0x1;
	_ =	shalt  }
.Lfunc_end2:
_tile_overlayer_lowered:
.L_overlay_start_2:
0x69: {  	(tag) =	ssettag $0x2  }
0x6a: {  	s0 =	rddreg [dreg:$0x0];
	s2 =	stileid.u32  }
0x6b: {  	s1 =	rddreg [dreg:$0x1];
	p0 =	sne.s32 s2, $0x0  }
0x6c: {  	s3 =	rddreg [dreg:$0x2];
	[bflag:$0x3] =	sbarrier.arrive $0xFFFF;
	s2 =	simm.s32 @!p0 $0x1C01  }
0x6d: {  	[timem:s3], [sflag:s2] =	dma.local @!p0 [hbm:s0], s1  }
0x6e: {  	s0 =	simm.s32 @!p0 $0x1  }
0x6f: {  	_ =	swait.ge @!p0 [sflag:s0], s1  }
0x70: {  	s1 =	ssub.s32 @!p0 $0x0, s1;
	[sflag:s0] =	ssyncset.done @!p0 $0x0  }
0x71: {  	[sflag:s0] =	ssyncadd.s32 @!p0 s1  }
0x72: {  	[bflag:$0x3] =	sbarrier.arrive $0xFFFF  }
0x73: {  	_ =	shalt  }

</sc_bundles>
